<compile_context>
chip_gen: v7x
topology: tpu7x:2x2x1
jax: 0.10.2.dev20260603
libtpu: 0.0.44.dev20260713+nightly
codegen_flags: <defaults>
</compile_context>

<pallas_src>
import functools

import jax
import jax.numpy as jnp
from jax import lax
from jax.experimental import pallas as pl
from jax.experimental.pallas import tpu as pltpu
from jax.experimental.pallas import tpu_sc as plsc

_NC = 2
_NS = 16
_NW = _NC * _NS
_CH = 112
_SK = 4
_D = 128


def _sc_gather(u2e, idx2d, n_chunks):
    nch_w = n_chunks // _NW
    nsk = nch_w // _SK
    npairs = nsk // 2
    assert nch_w % (2 * _SK) == 0 and nch_w % 8 == 0
    mesh = plsc.VectorSubcoreMesh(core_axis_name="c", subcore_axis_name="s")

    @functools.partial(
        pl.kernel,
        mesh=mesh,
        out_type=jax.ShapeDtypeStruct((n_chunks, _CH, _D), jnp.float32),
        scratch_types=[
            pltpu.VMEM((nch_w, _CH), jnp.int32),
            pltpu.VMEM((_SK, _CH, _D), jnp.float32),
            pltpu.VMEM((_SK, _CH, _D), jnp.float32),
            pltpu.SemaphoreType.DMA,
            pltpu.SemaphoreType.DMA,
        ],
    )
    def gather_kernel(u2e_hbm, idx_hbm, out_hbm, idx_v, buf_a, buf_b,
                      sem_a, sem_b):
        wid = lax.axis_index("s") * _NC + lax.axis_index("c")
        pltpu.sync_copy(
            idx_hbm.at[pl.ds(pl.multiple_of(wid * nch_w, 8), nch_w)], idx_v)
        cbase = wid * nch_w

        def fire(s, buf, sem):
            for i in range(_SK):
                pltpu.async_copy(
                    u2e_hbm.at[idx_v.at[s * _SK + i]], buf.at[i], sem)

        def drain(buf, sem):
            for i in range(_SK):
                pltpu.make_async_copy(
                    u2e_hbm.at[idx_v.at[0]], buf.at[i], sem).wait()

        def store(s, buf):
            pltpu.sync_copy(buf, out_hbm.at[pl.ds(cbase + s * _SK, _SK)])

        fire(0, buf_a, sem_a)

        def body(t, carry):
            fire(2 * t + 1, buf_b, sem_b)
            drain(buf_a, sem_a)
            store(2 * t, buf_a)

            @pl.when(t < npairs - 1)
            def _():
                fire(2 * t + 2, buf_a, sem_a)

            drain(buf_b, sem_b)
            store(2 * t + 1, buf_b)
            return carry

        lax.fori_loop(0, npairs, body, 0)

    return gather_kernel(u2e, idx2d)


def _att_stage_body(c_ref, d_ref, w1a_ref, w1b_ref, b1_ref, w2_ref, b2_ref,
                    w3b_ref, mg_ref, o_ref, *, gb):
    rb = gb * 16
    c = c_ref[...]
    dp = jnp.dot(d_ref[...], w1b_ref[...],
                 preferred_element_type=jnp.float32) + b1_ref[...]
    dpb = jnp.broadcast_to(dp[:, None, :], (gb, 16, _D)).reshape(rb, _D)
    h = jnp.maximum(
        jnp.dot(c, w1a_ref[...], preferred_element_type=jnp.float32) + dpb,
        0.0)
    g = jnp.maximum(
        jnp.dot(h, w2_ref[...], preferred_element_type=jnp.float32)
        + b2_ref[...], 0.0)
    p = jnp.dot(g, w3b_ref[...], preferred_element_type=jnp.float32)
    u = jnp.exp(p)
    mg = mg_ref[...]
    z = jnp.dot(mg, u, preferred_element_type=jnp.float32)
    numer = jnp.dot(mg, u * c, preferred_element_type=jnp.float32)
    o_ref[...] = numer / z


def _att_stage(c_rows, d_rows, w1a, w1b, b1, w2, b2, w3b, mg, *, gb=128,
               interpret=False):
    n = c_rows.shape[0]
    g = d_rows.shape[0]
    rb = gb * 16
    grid = (n // rb,)
    full = lambda i: (0, 0)
    return pl.pallas_call(
        functools.partial(_att_stage_body, gb=gb),
        grid=grid,
        in_specs=[
            pl.BlockSpec((rb, _D), lambda i: (i, 0)),
            pl.BlockSpec((gb, _D), lambda i: (i, 0)),
            pl.BlockSpec((_D, _D), full),
            pl.BlockSpec((_D, _D), full),
            pl.BlockSpec((1, _D), full),
            pl.BlockSpec((_D, _D), full),
            pl.BlockSpec((1, _D), full),
            pl.BlockSpec((_D, _D), full),
            pl.BlockSpec((gb, rb), full),
        ],
        out_specs=pl.BlockSpec((gb, _D), lambda i: (i, 0)),
        out_shape=jax.ShapeDtypeStruct((g, _D), jnp.float32),
        interpret=interpret,
    )(c_rows, d_rows, w1a, w1b, b1, w2, b2, w3b, mg)


def kernel(nodes, to_neighs, to_neighs_1, u2e, att1_w, att1_b, att2_w,
           att2_b, att3_w, att3_b):
    b, k = to_neighs.shape
    k2 = to_neighs_1.shape[2]
    n_two = b * k * k2
    n_one = b * k
    n_rows = n_two + n_one + b

    nch = n_rows // _CH
    nch_w = -(-(nch // _NW) // 8) * 8
    n_chunks = _NW * nch_w
    n_pad = n_chunks * _CH

    idx_all = jnp.concatenate([
        to_neighs_1.reshape(-1),
        to_neighs.reshape(-1),
        nodes,
        jnp.zeros((n_pad - n_rows,), dtype=nodes.dtype),
    ]).astype(jnp.int32)
    idx2d = idx_all.reshape(n_chunks, _CH)

    gathered = _sc_gather(u2e, idx2d, n_chunks).reshape(n_pad, _D)
    c_two = gathered[:n_two]
    d_one = gathered[n_two:n_two + n_one]
    t_seed = gathered[n_two + n_one:n_rows]

    w1a = att1_w[:_D]
    w1b = att1_w[_D:]
    b1 = att1_b.reshape(1, _D)
    b2 = att2_b.reshape(1, _D)
    w3b = jnp.broadcast_to(att3_w, (_D, _D))

    gb = 128
    rb = gb * 16
    gi = jnp.arange(gb, dtype=jnp.int32)[:, None]
    ri = jnp.arange(rb, dtype=jnp.int32)[None, :]
    mg = (ri // 16 == gi).astype(jnp.float32)

    e_u = _att_stage(c_two, d_one, w1a, w1b, b1, att2_w, b2, w3b, mg)
    out = _att_stage(e_u, t_seed, w1a, w1b, b1, att2_w, b2, w3b, mg)
    return out

# --- scband reference (transcript-rebuilt; emitter-appended) ---
"""Pipeline reference for scband-social-aggregator-6004364279883 (READ-ONLY COPY).

The authoritative reference and input builder live on the scoring server;
editing this copy changes nothing except your own understanding.
"""

import jax, jax.numpy as jnp
import numpy as np

B = 512
K = 16
K2 = 16
EMBED_DIM = 128
NUM_USERS = 100000


def setup_inputs(seed: int = 0) -> dict:
    key = jax.random.key(seed)
    ks = jax.random.split(key, 10)
    nodes = jax.random.randint(ks[0], (B,), 0, NUM_USERS)
    to_neighs = jax.random.randint(ks[1], (B, K), 0, NUM_USERS)
    to_neighs_1 = jax.random.randint(ks[2], (B, K, K2), 0, NUM_USERS)
    u2e = jax.random.normal(ks[3], (NUM_USERS, EMBED_DIM), dtype=jnp.float32) * 0.05
    att1_w = jax.random.normal(ks[4], (2 * EMBED_DIM, EMBED_DIM), dtype=jnp.float32) * (1.0 / np.sqrt(2 * EMBED_DIM))
    att1_b = jnp.zeros((EMBED_DIM,), dtype=jnp.float32)
    att2_w = jax.random.normal(ks[5], (EMBED_DIM, EMBED_DIM), dtype=jnp.float32) * (1.0 / np.sqrt(EMBED_DIM))
    att2_b = jnp.zeros((EMBED_DIM,), dtype=jnp.float32)
    att3_w = jax.random.normal(ks[6], (EMBED_DIM, 1), dtype=jnp.float32) * (1.0 / np.sqrt(EMBED_DIM))
    att3_b = jnp.zeros((1,), dtype=jnp.float32)
    return {
        "nodes": nodes,
        "to_neighs": to_neighs,
        "to_neighs_1": to_neighs_1,
        "u2e": u2e,
        "att1_w": att1_w,
        "att1_b": att1_b,
        "att2_w": att2_w,
        "att2_b": att2_b,
        "att3_w": att3_w,
        "att3_b": att3_b,
    }


def reference(nodes, to_neighs, to_neighs_1, u2e, att1_w, att1_b, att2_w, att2_b, att3_w, att3_b):
    # GraphRec-style Attention module (eval mode, dropout disabled)
    def att(c, target):
        n = c.shape[0]
        t = jnp.broadcast_to(target[None, :], (n, target.shape[-1]))
        x = jnp.concatenate([c, t], axis=1)
        x = jax.nn.relu(x @ att1_w + att1_b)
        x = jax.nn.relu(x @ att2_w + att2_b)
        x = x @ att3_w + att3_b  # [n, 1]
        return jax.nn.softmax(x, axis=0)

    # Inner (2-hop) aggregation for one 1-hop neighbor j of node i:
    # c = u2e[to_neighs_1[i][j]]  (K2, d); d = u2e[to_neighs[i][j]]
    # att_history_0 = (c.T @ att_w_0).T -> (d,)
    def inner(neigh_idx, two_hop_idx):
        c = jnp.take(u2e, two_hop_idx, axis=0)  # [K2, d]
        d_vec = u2e[neigh_idx]  # [d]
        w = att(c, d_vec)  # [K2, 1]
        return (c.T @ w)[:, 0]  # [d]

    # Outer aggregation over 1-hop neighbors for node i
    def per_node(node, neighs, neighs1):
        e_u = jax.vmap(inner)(neighs, neighs1)  # [K, d]
        u_rep = u2e[node]  # [d]
        w = att(e_u, u_rep)  # [K, 1]
        return (e_u.T @ w)[:, 0]  # [d]

    to_feats = jax.vmap(per_node)(nodes, to_neighs, to_neighs_1)  # [B, d]
    return to_feats

if __name__ == "__main__":
    import jax
    _d = setup_inputs()
    print(jax.jit(kernel)(*tuple(_d.values())))

</pallas_src>

<mosaic_0001>
#map = affine_map<(d0, d1) -> (0, 0)>
#map1 = affine_map<(d0, d1) -> (0, 0, 0)>
module attributes {stable_mosaic.version = 14 : i64} {
  func.func @gather_kernel(%arg0: i32, %arg1: i32, %arg2: memref<100000x128xf32, #tpu.memory_space<hbm>>, %arg3: memref<1280x112xi32, #tpu.memory_space<hbm>>, %arg4: memref<1280x112x128xf32, #tpu.memory_space<hbm>>, %arg5: memref<40x112xi32, #tpu.memory_space<vmem>>, %arg6: memref<4x112x128xf32, #tpu.memory_space<vmem>>, %arg7: memref<4x112x128xf32, #tpu.memory_space<vmem>>, %arg8: memref<!tpu.dma_semaphore, #tpu.memory_space<semaphore_mem>>, %arg9: memref<!tpu.dma_semaphore, #tpu.memory_space<semaphore_mem>>) attributes {dimension_semantics = [#tpu.dimension_semantics<core_parallel>, #tpu.dimension_semantics<subcore_parallel>], iteration_bounds = array<i64: 2, 16>, scalar_prefetch = 0 : i64, scratch_operands = 5 : i64, tpu.core_type = #tpu.core_type<sc_vector_subcore>, window_params = [{transform_indices = #map}, {transform_indices = #map}, {transform_indices = #map1}]} {
    %mul3A = arith.constant 2 : i32
    %mul3A_0 = arith.muli %arg1, %mul3A : i32
    %add3A = arith.addi %mul3A_0, %arg0 : i32
    %mul3A_1 = arith.constant 40 : i32
    %mul3A_2 = arith.muli %add3A, %mul3A_1 : i32
    %multiple_of3A = tpu.assume_multiple %mul3A_2, 8 : i32
    "tpu.region"() ({
      %run_scoped3A = tpu.sem_alloc : memref<!tpu.dma_semaphore, #tpu.memory_space<semaphore_mem>>
      %dma_start3A_57 = arith.constant 0 : i32
      %dma_start3A_58 = tpu.memref_slice %arg3[%multiple_of3A, %dma_start3A_57] : memref<1280x112xi32, #tpu.memory_space<hbm>> -> memref<40x112xi32, #tpu.memory_space<hbm>>
      %dma_start3A_59 = arith.constant 0 : i32
      %dma_start3A_60 = tpu.memref_slice %arg3[%multiple_of3A, %dma_start3A_59] : memref<1280x112xi32, #tpu.memory_space<hbm>> -> memref<40x112xi32, #tpu.memory_space<hbm>>
      tpu.enqueue_dma source(%dma_start3A_60 : memref<40x112xi32, #tpu.memory_space<hbm>>) target(%arg5 : memref<40x112xi32, #tpu.memory_space<vmem>>) target_semaphore(%run_scoped3A : memref<!tpu.dma_semaphore, #tpu.memory_space<semaphore_mem>>)
      %dma_wait3A = arith.constant 0 : i32
      %dma_wait3A_61 = tpu.memref_slice %arg3[%multiple_of3A, %dma_wait3A] : memref<1280x112xi32, #tpu.memory_space<hbm>> -> memref<40x112xi32, #tpu.memory_space<hbm>>
      %dma_wait3A_62 = arith.constant 0 : i32
      %dma_wait3A_63 = tpu.memref_slice %arg3[%multiple_of3A, %dma_wait3A_62] : memref<1280x112xi32, #tpu.memory_space<hbm>> -> memref<40x112xi32, #tpu.memory_space<hbm>>
      tpu.wait_dma2 semaphore(%run_scoped3A : memref<!tpu.dma_semaphore, #tpu.memory_space<semaphore_mem>>) src(%dma_wait3A_63 : memref<40x112xi32, #tpu.memory_space<hbm>>) dst(%arg5 : memref<40x112xi32, #tpu.memory_space<vmem>>)
      tpu.yield
    }) : () -> ()
    %mul3A_3 = arith.constant 40 : i32
    %mul3A_4 = arith.muli %add3A, %mul3A_3 : i32
    %dma_start3A = arith.constant 0 : i32
    %dma_start3A_5 = arith.constant 0 : i32
    %dma_start3A_6 = arith.constant 0 : i32
    %dma_start3A_7 = arith.constant 0 : i32
    %dma_start3A_8 = tpu.memref_slice %arg6[%dma_start3A_5, %dma_start3A_6, %dma_start3A_7] : memref<4x112x128xf32, #tpu.memory_space<vmem>> -> memref<1x112x128xf32, #tpu.memory_space<vmem>>
    %dma_start3A_9 = tpu.memref_squeeze %dma_start3A_8 : memref<1x112x128xf32, #tpu.memory_space<vmem>> -> memref<112x128xf32, #tpu.memory_space<vmem>>
    %dma_start3A_10 = arith.constant 0 : i32
    %dma_start3A_11 = tpu.memref_slice %arg5[%dma_start3A, %dma_start3A_10] : memref<40x112xi32, #tpu.memory_space<vmem>> -> memref<1x112xi32, #tpu.memory_space<vmem>>
    %dma_start3A_12 = tpu.memref_squeeze %dma_start3A_11 : memref<1x112xi32, #tpu.memory_space<vmem>> -> memref<112xi32, #tpu.memory_space<vmem>>
    %dma_start3A_13 = arith.constant 0 : i32
    %dma_start3A_14 = arith.constant 0 : i32
    %dma_start3A_15 = tpu.memref_slice %arg2[%dma_start3A_13, %dma_start3A_14] : memref<100000x128xf32, #tpu.memory_space<hbm>> -> memref<100000x128xf32, #tpu.memory_space<hbm>>
    tpu.enqueue_indirect_dma source(%dma_start3A_15 : memref<100000x128xf32, #tpu.memory_space<hbm>>) target(%dma_start3A_9 : memref<112x128xf32, #tpu.memory_space<vmem>>) offsets(%dma_start3A_12 : memref<112xi32, #tpu.memory_space<vmem>>) semaphore(%arg8 : memref<!tpu.dma_semaphore, #tpu.memory_space<semaphore_mem>>)
    %dma_start3A_16 = arith.constant 1 : i32
    %dma_start3A_17 = arith.constant 1 : i32
    %dma_start3A_18 = arith.constant 0 : i32
    %dma_start3A_19 = arith.constant 0 : i32
    %dma_start3A_20 = tpu.memref_slice %arg6[%dma_start3A_17, %dma_start3A_18, %dma_start3A_19] : memref<4x112x128xf32, #tpu.memory_space<vmem>> -> memref<1x112x128xf32, #tpu.memory_space<vmem>>
    %dma_start3A_21 = tpu.memref_squeeze %dma_start3A_20 : memref<1x112x128xf32, #tpu.memory_space<vmem>> -> memref<112x128xf32, #tpu.memory_space<vmem>>
    %dma_start3A_22 = arith.constant 0 : i32
    %dma_start3A_23 = tpu.memref_slice %arg5[%dma_start3A_16, %dma_start3A_22] : memref<40x112xi32, #tpu.memory_space<vmem>> -> memref<1x112xi32, #tpu.memory_space<vmem>>
    %dma_start3A_24 = tpu.memref_squeeze %dma_start3A_23 : memref<1x112xi32, #tpu.memory_space<vmem>> -> memref<112xi32, #tpu.memory_space<vmem>>
    %dma_start3A_25 = arith.constant 0 : i32
    %dma_start3A_26 = arith.constant 0 : i32
    %dma_start3A_27 = tpu.memref_slice %arg2[%dma_start3A_25, %dma_start3A_26] : memref<100000x128xf32, #tpu.memory_space<hbm>> -> memref<100000x128xf32, #tpu.memory_space<hbm>>
    tpu.enqueue_indirect_dma source(%dma_start3A_27 : memref<100000x128xf32, #tpu.memory_space<hbm>>) target(%dma_start3A_21 : memref<112x128xf32, #tpu.memory_space<vmem>>) offsets(%dma_start3A_24 : memref<112xi32, #tpu.memory_space<vmem>>) semaphore(%arg8 : memref<!tpu.dma_semaphore, #tpu.memory_space<semaphore_mem>>)
    %dma_start3A_28 = arith.constant 2 : i32
    %dma_start3A_29 = arith.constant 2 : i32
    %dma_start3A_30 = arith.constant 0 : i32
    %dma_start3A_31 = arith.constant 0 : i32
    %dma_start3A_32 = tpu.memref_slice %arg6[%dma_start3A_29, %dma_start3A_30, %dma_start3A_31] : memref<4x112x128xf32, #tpu.memory_space<vmem>> -> memref<1x112x128xf32, #tpu.memory_space<vmem>>
    %dma_start3A_33 = tpu.memref_squeeze %dma_start3A_32 : memref<1x112x128xf32, #tpu.memory_space<vmem>> -> memref<112x128xf32, #tpu.memory_space<vmem>>
    %dma_start3A_34 = arith.constant 0 : i32
    %dma_start3A_35 = tpu.memref_slice %arg5[%dma_start3A_28, %dma_start3A_34] : memref<40x112xi32, #tpu.memory_space<vmem>> -> memref<1x112xi32, #tpu.memory_space<vmem>>
    %dma_start3A_36 = tpu.memref_squeeze %dma_start3A_35 : memref<1x112xi32, #tpu.memory_space<vmem>> -> memref<112xi32, #tpu.memory_space<vmem>>
    %dma_start3A_37 = arith.constant 0 : i32
    %dma_start3A_38 = arith.constant 0 : i32
    %dma_start3A_39 = tpu.memref_slice %arg2[%dma_start3A_37, %dma_start3A_38] : memref<100000x128xf32, #tpu.memory_space<hbm>> -> memref<100000x128xf32, #tpu.memory_space<hbm>>
    tpu.enqueue_indirect_dma source(%dma_start3A_39 : memref<100000x128xf32, #tpu.memory_space<hbm>>) target(%dma_start3A_33 : memref<112x128xf32, #tpu.memory_space<vmem>>) offsets(%dma_start3A_36 : memref<112xi32, #tpu.memory_space<vmem>>) semaphore(%arg8 : memref<!tpu.dma_semaphore, #tpu.memory_space<semaphore_mem>>)
    %dma_start3A_40 = arith.constant 3 : i32
    %dma_start3A_41 = arith.constant 3 : i32
    %dma_start3A_42 = arith.constant 0 : i32
    %dma_start3A_43 = arith.constant 0 : i32
    %dma_start3A_44 = tpu.memref_slice %arg6[%dma_start3A_41, %dma_start3A_42, %dma_start3A_43] : memref<4x112x128xf32, #tpu.memory_space<vmem>> -> memref<1x112x128xf32, #tpu.memory_space<vmem>>
    %dma_start3A_45 = tpu.memref_squeeze %dma_start3A_44 : memref<1x112x128xf32, #tpu.memory_space<vmem>> -> memref<112x128xf32, #tpu.memory_space<vmem>>
    %dma_start3A_46 = arith.constant 0 : i32
    %dma_start3A_47 = tpu.memref_slice %arg5[%dma_start3A_40, %dma_start3A_46] : memref<40x112xi32, #tpu.memory_space<vmem>> -> memref<1x112xi32, #tpu.memory_space<vmem>>
    %dma_start3A_48 = tpu.memref_squeeze %dma_start3A_47 : memref<1x112xi32, #tpu.memory_space<vmem>> -> memref<112xi32, #tpu.memory_space<vmem>>
    %dma_start3A_49 = arith.constant 0 : i32
    %dma_start3A_50 = arith.constant 0 : i32
    %dma_start3A_51 = tpu.memref_slice %arg2[%dma_start3A_49, %dma_start3A_50] : memref<100000x128xf32, #tpu.memory_space<hbm>> -> memref<100000x128xf32, #tpu.memory_space<hbm>>
    tpu.enqueue_indirect_dma source(%dma_start3A_51 : memref<100000x128xf32, #tpu.memory_space<hbm>>) target(%dma_start3A_45 : memref<112x128xf32, #tpu.memory_space<vmem>>) offsets(%dma_start3A_48 : memref<112xi32, #tpu.memory_space<vmem>>) semaphore(%arg8 : memref<!tpu.dma_semaphore, #tpu.memory_space<semaphore_mem>>)
    %scan3A = arith.constant 0 : i32
    %scan3A_52 = arith.constant 0 : i32
    %scan3A_53 = arith.constant 5 : i32
    %scan3A_54 = arith.addi %scan3A_52, %scan3A_53 : i32
    %scan3A_55 = arith.constant 1 : i32
    scf.for %scan3A_57 = %scan3A_52 to %scan3A_54 step %scan3A_55  : i32 {
      %mul3A_58 = arith.constant 2 : i32
      %mul3A_59 = arith.muli %mul3A_58, %scan3A_57 : i32
      %add3A_60 = arith.constant 1 : i32
      %add3A_61 = arith.addi %mul3A_59, %add3A_60 : i32
      %mul3A_62 = arith.constant 4 : i32
      %mul3A_63 = arith.muli %add3A_61, %mul3A_62 : i32
      %add3A_64 = arith.constant 0 : i32
      %add3A_65 = arith.addi %mul3A_63, %add3A_64 : i32
      %dma_start3A_66 = arith.constant 0 : i32
      %dma_start3A_67 = arith.constant 0 : i32
      %dma_start3A_68 = arith.constant 0 : i32
      %dma_start3A_69 = tpu.memref_slice %arg7[%dma_start3A_66, %dma_start3A_67, %dma_start3A_68] : memref<4x112x128xf32, #tpu.memory_space<vmem>> -> memref<1x112x128xf32, #tpu.memory_space<vmem>>
      %dma_start3A_70 = tpu.memref_squeeze %dma_start3A_69 : memref<1x112x128xf32, #tpu.memory_space<vmem>> -> memref<112x128xf32, #tpu.memory_space<vmem>>
      %dma_start3A_71 = arith.constant 0 : i32
      %dma_start3A_72 = tpu.memref_slice %arg5[%add3A_65, %dma_start3A_71] : memref<40x112xi32, #tpu.memory_space<vmem>> -> memref<1x112xi32, #tpu.memory_space<vmem>>
      %dma_start3A_73 = tpu.memref_squeeze %dma_start3A_72 : memref<1x112xi32, #tpu.memory_space<vmem>> -> memref<112xi32, #tpu.memory_space<vmem>>
      %dma_start3A_74 = arith.constant 0 : i32
      %dma_start3A_75 = arith.constant 0 : i32
      %dma_start3A_76 = tpu.memref_slice %arg2[%dma_start3A_74, %dma_start3A_75] : memref<100000x128xf32, #tpu.memory_space<hbm>> -> memref<100000x128xf32, #tpu.memory_space<hbm>>
      tpu.enqueue_indirect_dma source(%dma_start3A_76 : memref<100000x128xf32, #tpu.memory_space<hbm>>) target(%dma_start3A_70 : memref<112x128xf32, #tpu.memory_space<vmem>>) offsets(%dma_start3A_73 : memref<112xi32, #tpu.memory_space<vmem>>) semaphore(%arg9 : memref<!tpu.dma_semaphore, #tpu.memory_space<semaphore_mem>>)
      %mul3A_77 = arith.constant 4 : i32
      %mul3A_78 = arith.muli %add3A_61, %mul3A_77 : i32
      %add3A_79 = arith.constant 1 : i32
      %add3A_80 = arith.addi %mul3A_78, %add3A_79 : i32
      %dma_start3A_81 = arith.constant 1 : i32
      %dma_start3A_82 = arith.constant 0 : i32
      %dma_start3A_83 = arith.constant 0 : i32
      %dma_start3A_84 = tpu.memref_slice %arg7[%dma_start3A_81, %dma_start3A_82, %dma_start3A_83] : memref<4x112x128xf32, #tpu.memory_space<vmem>> -> memref<1x112x128xf32, #tpu.memory_space<vmem>>
      %dma_start3A_85 = tpu.memref_squeeze %dma_start3A_84 : memref<1x112x128xf32, #tpu.memory_space<vmem>> -> memref<112x128xf32, #tpu.memory_space<vmem>>
      %dma_start3A_86 = arith.constant 0 : i32
      %dma_start3A_87 = tpu.memref_slice %arg5[%add3A_80, %dma_start3A_86] : memref<40x112xi32, #tpu.memory_space<vmem>> -> memref<1x112xi32, #tpu.memory_space<vmem>>
      %dma_start3A_88 = tpu.memref_squeeze %dma_start3A_87 : memref<1x112xi32, #tpu.memory_space<vmem>> -> memref<112xi32, #tpu.memory_space<vmem>>
      %dma_start3A_89 = arith.constant 0 : i32
      %dma_start3A_90 = arith.constant 0 : i32
      %dma_start3A_91 = tpu.memref_slice %arg2[%dma_start3A_89, %dma_start3A_90] : memref<100000x128xf32, #tpu.memory_space<hbm>> -> memref<100000x128xf32, #tpu.memory_space<hbm>>
      tpu.enqueue_indirect_dma source(%dma_start3A_91 : memref<100000x128xf32, #tpu.memory_space<hbm>>) target(%dma_start3A_85 : memref<112x128xf32, #tpu.memory_space<vmem>>) offsets(%dma_start3A_88 : memref<112xi32, #tpu.memory_space<vmem>>) semaphore(%arg9 : memref<!tpu.dma_semaphore, #tpu.memory_space<semaphore_mem>>)
      %mul3A_92 = arith.constant 4 : i32
      %mul3A_93 = arith.muli %add3A_61, %mul3A_92 : i32
      %add3A_94 = arith.constant 2 : i32
      %add3A_95 = arith.addi %mul3A_93, %add3A_94 : i32
      %dma_start3A_96 = arith.constant 2 : i32
      %dma_start3A_97 = arith.constant 0 : i32
      %dma_start3A_98 = arith.constant 0 : i32
      %dma_start3A_99 = tpu.memref_slice %arg7[%dma_start3A_96, %dma_start3A_97, %dma_start3A_98] : memref<4x112x128xf32, #tpu.memory_space<vmem>> -> memref<1x112x128xf32, #tpu.memory_space<vmem>>
      %dma_start3A_100 = tpu.memref_squeeze %dma_start3A_99 : memref<1x112x128xf32, #tpu.memory_space<vmem>> -> memref<112x128xf32, #tpu.memory_space<vmem>>
      %dma_start3A_101 = arith.constant 0 : i32
      %dma_start3A_102 = tpu.memref_slice %arg5[%add3A_95, %dma_start3A_101] : memref<40x112xi32, #tpu.memory_space<vmem>> -> memref<1x112xi32, #tpu.memory_space<vmem>>
      %dma_start3A_103 = tpu.memref_squeeze %dma_start3A_102 : memref<1x112xi32, #tpu.memory_space<vmem>> -> memref<112xi32, #tpu.memory_space<vmem>>
      %dma_start3A_104 = arith.constant 0 : i32
      %dma_start3A_105 = arith.constant 0 : i32
      %dma_start3A_106 = tpu.memref_slice %arg2[%dma_start3A_104, %dma_start3A_105] : memref<100000x128xf32, #tpu.memory_space<hbm>> -> memref<100000x128xf32, #tpu.memory_space<hbm>>
      tpu.enqueue_indirect_dma source(%dma_start3A_106 : memref<100000x128xf32, #tpu.memory_space<hbm>>) target(%dma_start3A_100 : memref<112x128xf32, #tpu.memory_space<vmem>>) offsets(%dma_start3A_103 : memref<112xi32, #tpu.memory_space<vmem>>) semaphore(%arg9 : memref<!tpu.dma_semaphore, #tpu.memory_space<semaphore_mem>>)
      %mul3A_107 = arith.constant 4 : i32
      %mul3A_108 = arith.muli %add3A_61, %mul3A_107 : i32
      %add3A_109 = arith.constant 3 : i32
      %add3A_110 = arith.addi %mul3A_108, %add3A_109 : i32
      %dma_start3A_111 = arith.constant 3 : i32
      %dma_start3A_112 = arith.constant 0 : i32
      %dma_start3A_113 = arith.constant 0 : i32
      %dma_start3A_114 = tpu.memref_slice %arg7[%dma_start3A_111, %dma_start3A_112, %dma_start3A_113] : memref<4x112x128xf32, #tpu.memory_space<vmem>> -> memref<1x112x128xf32, #tpu.memory_space<vmem>>
      %dma_start3A_115 = tpu.memref_squeeze %dma_start3A_114 : memref<1x112x128xf32, #tpu.memory_space<vmem>> -> memref<112x128xf32, #tpu.memory_space<vmem>>
      %dma_start3A_116 = arith.constant 0 : i32
      %dma_start3A_117 = tpu.memref_slice %arg5[%add3A_110, %dma_start3A_116] : memref<40x112xi32, #tpu.memory_space<vmem>> -> memref<1x112xi32, #tpu.memory_space<vmem>>
      %dma_start3A_118 = tpu.memref_squeeze %dma_start3A_117 : memref<1x112xi32, #tpu.memory_space<vmem>> -> memref<112xi32, #tpu.memory_space<vmem>>
      %dma_start3A_119 = arith.constant 0 : i32
      %dma_start3A_120 = arith.constant 0 : i32
      %dma_start3A_121 = tpu.memref_slice %arg2[%dma_start3A_119, %dma_start3A_120] : memref<100000x128xf32, #tpu.memory_space<hbm>> -> memref<100000x128xf32, #tpu.memory_space<hbm>>
      tpu.enqueue_indirect_dma source(%dma_start3A_121 : memref<100000x128xf32, #tpu.memory_space<hbm>>) target(%dma_start3A_115 : memref<112x128xf32, #tpu.memory_space<vmem>>) offsets(%dma_start3A_118 : memref<112xi32, #tpu.memory_space<vmem>>) semaphore(%arg9 : memref<!tpu.dma_semaphore, #tpu.memory_space<semaphore_mem>>)
      %dma_wait3A = arith.constant 0 : i32
      %dma_wait3A_122 = arith.constant 0 : i32
      %dma_wait3A_123 = arith.constant 0 : i32
      %dma_wait3A_124 = arith.constant 0 : i32
      %dma_wait3A_125 = tpu.memref_slice %arg6[%dma_wait3A_122, %dma_wait3A_123, %dma_wait3A_124] : memref<4x112x128xf32, #tpu.memory_space<vmem>> -> memref<1x112x128xf32, #tpu.memory_space<vmem>>
      %dma_wait3A_126 = tpu.memref_squeeze %dma_wait3A_125 : memref<1x112x128xf32, #tpu.memory_space<vmem>> -> memref<112x128xf32, #tpu.memory_space<vmem>>
      %dma_wait3A_127 = arith.constant 0 : i32
      %dma_wait3A_128 = tpu.memref_slice %arg5[%dma_wait3A, %dma_wait3A_127] : memref<40x112xi32, #tpu.memory_space<vmem>> -> memref<1x112xi32, #tpu.memory_space<vmem>>
      %dma_wait3A_129 = tpu.memref_squeeze %dma_wait3A_128 : memref<1x112xi32, #tpu.memory_space<vmem>> -> memref<112xi32, #tpu.memory_space<vmem>>
      %dma_wait3A_130 = arith.constant 0 : i32
      %dma_wait3A_131 = arith.constant 0 : i32
      %dma_wait3A_132 = tpu.memref_slice %arg2[%dma_wait3A_130, %dma_wait3A_131] : memref<100000x128xf32, #tpu.memory_space<hbm>> -> memref<100000x128xf32, #tpu.memory_space<hbm>>
      tpu.wait_indirect_dma semaphore(%arg8 : memref<!tpu.dma_semaphore, #tpu.memory_space<semaphore_mem>>) src(%dma_wait3A_132 : memref<100000x128xf32, #tpu.memory_space<hbm>>) dst(%dma_wait3A_126 : memref<112x128xf32, #tpu.memory_space<vmem>>)
      %dma_wait3A_133 = arith.constant 0 : i32
      %dma_wait3A_134 = arith.constant 1 : i32
      %dma_wait3A_135 = arith.constant 0 : i32
      %dma_wait3A_136 = arith.constant 0 : i32
      %dma_wait3A_137 = tpu.memref_slice %arg6[%dma_wait3A_134, %dma_wait3A_135, %dma_wait3A_136] : memref<4x112x128xf32, #tpu.memory_space<vmem>> -> memref<1x112x128xf32, #tpu.memory_space<vmem>>
      %dma_wait3A_138 = tpu.memref_squeeze %dma_wait3A_137 : memref<1x112x128xf32, #tpu.memory_space<vmem>> -> memref<112x128xf32, #tpu.memory_space<vmem>>
      %dma_wait3A_139 = arith.constant 0 : i32
      %dma_wait3A_140 = tpu.memref_slice %arg5[%dma_wait3A_133, %dma_wait3A_139] : memref<40x112xi32, #tpu.memory_space<vmem>> -> memref<1x112xi32, #tpu.memory_space<vmem>>
      %dma_wait3A_141 = tpu.memref_squeeze %dma_wait3A_140 : memref<1x112xi32, #tpu.memory_space<vmem>> -> memref<112xi32, #tpu.memory_space<vmem>>
      %dma_wait3A_142 = arith.constant 0 : i32
      %dma_wait3A_143 = arith.constant 0 : i32
      %dma_wait3A_144 = tpu.memref_slice %arg2[%dma_wait3A_142, %dma_wait3A_143] : memref<100000x128xf32, #tpu.memory_space<hbm>> -> memref<100000x128xf32, #tpu.memory_space<hbm>>
      tpu.wait_indirect_dma semaphore(%arg8 : memref<!tpu.dma_semaphore, #tpu.memory_space<semaphore_mem>>) src(%dma_wait3A_144 : memref<100000x128xf32, #tpu.memory_space<hbm>>) dst(%dma_wait3A_138 : memref<112x128xf32, #tpu.memory_space<vmem>>)
      %dma_wait3A_145 = arith.constant 0 : i32
      %dma_wait3A_146 = arith.constant 2 : i32
      %dma_wait3A_147 = arith.constant 0 : i32
      %dma_wait3A_148 = arith.constant 0 : i32
      %dma_wait3A_149 = tpu.memref_slice %arg6[%dma_wait3A_146, %dma_wait3A_147, %dma_wait3A_148] : memref<4x112x128xf32, #tpu.memory_space<vmem>> -> memref<1x112x128xf32, #tpu.memory_space<vmem>>
      %dma_wait3A_150 = tpu.memref_squeeze %dma_wait3A_149 : memref<1x112x128xf32, #tpu.memory_space<vmem>> -> memref<112x128xf32, #tpu.memory_space<vmem>>
      %dma_wait3A_151 = arith.constant 0 : i32
      %dma_wait3A_152 = tpu.memref_slice %arg5[%dma_wait3A_145, %dma_wait3A_151] : memref<40x112xi32, #tpu.memory_space<vmem>> -> memref<1x112xi32, #tpu.memory_space<vmem>>
      %dma_wait3A_153 = tpu.memref_squeeze %dma_wait3A_152 : memref<1x112xi32, #tpu.memory_space<vmem>> -> memref<112xi32, #tpu.memory_space<vmem>>
      %dma_wait3A_154 = arith.constant 0 : i32
      %dma_wait3A_155 = arith.constant 0 : i32
      %dma_wait3A_156 = tpu.memref_slice %arg2[%dma_wait3A_154, %dma_wait3A_155] : memref<100000x128xf32, #tpu.memory_space<hbm>> -> memref<100000x128xf32, #tpu.memory_space<hbm>>
      tpu.wait_indirect_dma semaphore(%arg8 : memref<!tpu.dma_semaphore, #tpu.memory_space<semaphore_mem>>) src(%dma_wait3A_156 : memref<100000x128xf32, #tpu.memory_space<hbm>>) dst(%dma_wait3A_150 : memref<112x128xf32, #tpu.memory_space<vmem>>)
      %dma_wait3A_157 = arith.constant 0 : i32
      %dma_wait3A_158 = arith.constant 3 : i32
      %dma_wait3A_159 = arith.constant 0 : i32
      %dma_wait3A_160 = arith.constant 0 : i32
      %dma_wait3A_161 = tpu.memref_slice %arg6[%dma_wait3A_158, %dma_wait3A_159, %dma_wait3A_160] : memref<4x112x128xf32, #tpu.memory_space<vmem>> -> memref<1x112x128xf32, #tpu.memory_space<vmem>>
      %dma_wait3A_162 = tpu.memref_squeeze %dma_wait3A_161 : memref<1x112x128xf32, #tpu.memory_space<vmem>> -> memref<112x128xf32, #tpu.memory_space<vmem>>
      %dma_wait3A_163 = arith.constant 0 : i32
      %dma_wait3A_164 = tpu.memref_slice %arg5[%dma_wait3A_157, %dma_wait3A_163] : memref<40x112xi32, #tpu.memory_space<vmem>> -> memref<1x112xi32, #tpu.memory_space<vmem>>
      %dma_wait3A_165 = tpu.memref_squeeze %dma_wait3A_164 : memref<1x112xi32, #tpu.memory_space<vmem>> -> memref<112xi32, #tpu.memory_space<vmem>>
      %dma_wait3A_166 = arith.constant 0 : i32
      %dma_wait3A_167 = arith.constant 0 : i32
      %dma_wait3A_168 = tpu.memref_slice %arg2[%dma_wait3A_166, %dma_wait3A_167] : memref<100000x128xf32, #tpu.memory_space<hbm>> -> memref<100000x128xf32, #tpu.memory_space<hbm>>
      tpu.wait_indirect_dma semaphore(%arg8 : memref<!tpu.dma_semaphore, #tpu.memory_space<semaphore_mem>>) src(%dma_wait3A_168 : memref<100000x128xf32, #tpu.memory_space<hbm>>) dst(%dma_wait3A_162 : memref<112x128xf32, #tpu.memory_space<vmem>>)
      %mul3A_169 = arith.constant 2 : i32
      %mul3A_170 = arith.muli %mul3A_169, %scan3A_57 : i32
      %mul3A_171 = arith.constant 4 : i32
      %mul3A_172 = arith.muli %mul3A_170, %mul3A_171 : i32
      %add3A_173 = arith.addi %mul3A_4, %mul3A_172 : i32
      "tpu.region"() ({
        %run_scoped3A = tpu.sem_alloc : memref<!tpu.dma_semaphore, #tpu.memory_space<semaphore_mem>>
        %dma_start3A_231 = arith.constant 0 : i32
        %dma_start3A_232 = arith.constant 0 : i32
        %dma_start3A_233 = tpu.memref_slice %arg4[%add3A_173, %dma_start3A_231, %dma_start3A_232] : memref<1280x112x128xf32, #tpu.memory_space<hbm>> -> memref<4x112x128xf32, #tpu.memory_space<hbm>>
        %dma_start3A_234 = arith.constant 0 : i32
        %dma_start3A_235 = arith.constant 0 : i32
        %dma_start3A_236 = tpu.memref_slice %arg4[%add3A_173, %dma_start3A_234, %dma_start3A_235] : memref<1280x112x128xf32, #tpu.memory_space<hbm>> -> memref<4x112x128xf32, #tpu.memory_space<hbm>>
        tpu.enqueue_dma source(%arg6 : memref<4x112x128xf32, #tpu.memory_space<vmem>>) target(%dma_start3A_236 : memref<4x112x128xf32, #tpu.memory_space<hbm>>) target_semaphore(%run_scoped3A : memref<!tpu.dma_semaphore, #tpu.memory_space<semaphore_mem>>)
        %dma_wait3A_237 = arith.constant 0 : i32
        %dma_wait3A_238 = arith.constant 0 : i32
        %dma_wait3A_239 = tpu.memref_slice %arg4[%add3A_173, %dma_wait3A_237, %dma_wait3A_238] : memref<1280x112x128xf32, #tpu.memory_space<hbm>> -> memref<4x112x128xf32, #tpu.memory_space<hbm>>
        %dma_wait3A_240 = arith.constant 0 : i32
        %dma_wait3A_241 = arith.constant 0 : i32
        %dma_wait3A_242 = tpu.memref_slice %arg4[%add3A_173, %dma_wait3A_240, %dma_wait3A_241] : memref<1280x112x128xf32, #tpu.memory_space<hbm>> -> memref<4x112x128xf32, #tpu.memory_space<hbm>>
        tpu.wait_dma2 semaphore(%run_scoped3A : memref<!tpu.dma_semaphore, #tpu.memory_space<semaphore_mem>>) src(%arg6 : memref<4x112x128xf32, #tpu.memory_space<vmem>>) dst(%dma_wait3A_242 : memref<4x112x128xf32, #tpu.memory_space<hbm>>)
        tpu.yield
      }) : () -> ()
      %lt3A = arith.constant 4 : i32
      %lt3A_174 = arith.cmpi slt, %scan3A_57, %lt3A : i32
      %convert_element_type3A = arith.extui %lt3A_174 : i1 to i32
      %cond3A = arith.constant 0 : i32
      %cond3A_175 = arith.cmpi ne, %convert_element_type3A, %cond3A : i32
      scf.if %cond3A_175 {
        %mul3A_231 = arith.constant 2 : i32
        %mul3A_232 = arith.muli %mul3A_231, %scan3A_57 : i32
        %add3A_233 = arith.constant 2 : i32
        %add3A_234 = arith.addi %mul3A_232, %add3A_233 : i32
        %mul3A_235 = arith.constant 4 : i32
        %mul3A_236 = arith.muli %add3A_234, %mul3A_235 : i32
        %add3A_237 = arith.constant 0 : i32
        %add3A_238 = arith.addi %mul3A_236, %add3A_237 : i32
        %dma_start3A_239 = arith.constant 0 : i32
        %dma_start3A_240 = arith.constant 0 : i32
        %dma_start3A_241 = arith.constant 0 : i32
        %dma_start3A_242 = tpu.memref_slice %arg6[%dma_start3A_239, %dma_start3A_240, %dma_start3A_241] : memref<4x112x128xf32, #tpu.memory_space<vmem>> -> memref<1x112x128xf32, #tpu.memory_space<vmem>>
        %dma_start3A_243 = tpu.memref_squeeze %dma_start3A_242 : memref<1x112x128xf32, #tpu.memory_space<vmem>> -> memref<112x128xf32, #tpu.memory_space<vmem>>
        %dma_start3A_244 = arith.constant 0 : i32
        %dma_start3A_245 = tpu.memref_slice %arg5[%add3A_238, %dma_start3A_244] : memref<40x112xi32, #tpu.memory_space<vmem>> -> memref<1x112xi32, #tpu.memory_space<vmem>>
        %dma_start3A_246 = tpu.memref_squeeze %dma_start3A_245 : memref<1x112xi32, #tpu.memory_space<vmem>> -> memref<112xi32, #tpu.memory_space<vmem>>
        %dma_start3A_247 = arith.constant 0 : i32
        %dma_start3A_248 = arith.constant 0 : i32
        %dma_start3A_249 = tpu.memref_slice %arg2[%dma_start3A_247, %dma_start3A_248] : memref<100000x128xf32, #tpu.memory_space<hbm>> -> memref<100000x128xf32, #tpu.memory_space<hbm>>
        tpu.enqueue_indirect_dma source(%dma_start3A_249 : memref<100000x128xf32, #tpu.memory_space<hbm>>) target(%dma_start3A_243 : memref<112x128xf32, #tpu.memory_space<vmem>>) offsets(%dma_start3A_246 : memref<112xi32, #tpu.memory_space<vmem>>) semaphore(%arg8 : memref<!tpu.dma_semaphore, #tpu.memory_space<semaphore_mem>>)
        %mul3A_250 = arith.constant 4 : i32
        %mul3A_251 = arith.muli %add3A_234, %mul3A_250 : i32
        %add3A_252 = arith.constant 1 : i32
        %add3A_253 = arith.addi %mul3A_251, %add3A_252 : i32
        %dma_start3A_254 = arith.constant 1 : i32
        %dma_start3A_255 = arith.constant 0 : i32
        %dma_start3A_256 = arith.constant 0 : i32
        %dma_start3A_257 = tpu.memref_slice %arg6[%dma_start3A_254, %dma_start3A_255, %dma_start3A_256] : memref<4x112x128xf32, #tpu.memory_space<vmem>> -> memref<1x112x128xf32, #tpu.memory_space<vmem>>
        %dma_start3A_258 = tpu.memref_squeeze %dma_start3A_257 : memref<1x112x128xf32, #tpu.memory_space<vmem>> -> memref<112x128xf32, #tpu.memory_space<vmem>>
        %dma_start3A_259 = arith.constant 0 : i32
        %dma_start3A_260 = tpu.memref_slice %arg5[%add3A_253, %dma_start3A_259] : memref<40x112xi32, #tpu.memory_space<vmem>> -> memref<1x112xi32, #tpu.memory_space<vmem>>
        %dma_start3A_261 = tpu.memref_squeeze %dma_start3A_260 : memref<1x112xi32, #tpu.memory_space<vmem>> -> memref<112xi32, #tpu.memory_space<vmem>>
        %dma_start3A_262 = arith.constant 0 : i32
        %dma_start3A_263 = arith.constant 0 : i32
        %dma_start3A_264 = tpu.memref_slice %arg2[%dma_start3A_262, %dma_start3A_263] : memref<100000x128xf32, #tpu.memory_space<hbm>> -> memref<100000x128xf32, #tpu.memory_space<hbm>>
        tpu.enqueue_indirect_dma source(%dma_start3A_264 : memref<100000x128xf32, #tpu.memory_space<hbm>>) target(%dma_start3A_258 : memref<112x128xf32, #tpu.memory_space<vmem>>) offsets(%dma_start3A_261 : memref<112xi32, #tpu.memory_space<vmem>>) semaphore(%arg8 : memref<!tpu.dma_semaphore, #tpu.memory_space<semaphore_mem>>)
        %mul3A_265 = arith.constant 4 : i32
        %mul3A_266 = arith.muli %add3A_234, %mul3A_265 : i32
        %add3A_267 = arith.constant 2 : i32
        %add3A_268 = arith.addi %mul3A_266, %add3A_267 : i32
        %dma_start3A_269 = arith.constant 2 : i32
        %dma_start3A_270 = arith.constant 0 : i32
        %dma_start3A_271 = arith.constant 0 : i32
        %dma_start3A_272 = tpu.memref_slice %arg6[%dma_start3A_269, %dma_start3A_270, %dma_start3A_271] : memref<4x112x128xf32, #tpu.memory_space<vmem>> -> memref<1x112x128xf32, #tpu.memory_space<vmem>>
        %dma_start3A_273 = tpu.memref_squeeze %dma_start3A_272 : memref<1x112x128xf32, #tpu.memory_space<vmem>> -> memref<112x128xf32, #tpu.memory_space<vmem>>
        %dma_start3A_274 = arith.constant 0 : i32
        %dma_start3A_275 = tpu.memref_slice %arg5[%add3A_268, %dma_start3A_274] : memref<40x112xi32, #tpu.memory_space<vmem>> -> memref<1x112xi32, #tpu.memory_space<vmem>>
        %dma_start3A_276 = tpu.memref_squeeze %dma_start3A_275 : memref<1x112xi32, #tpu.memory_space<vmem>> -> memref<112xi32, #tpu.memory_space<vmem>>
        %dma_start3A_277 = arith.constant 0 : i32
        %dma_start3A_278 = arith.constant 0 : i32
        %dma_start3A_279 = tpu.memref_slice %arg2[%dma_start3A_277, %dma_start3A_278] : memref<100000x128xf32, #tpu.memory_space<hbm>> -> memref<100000x128xf32, #tpu.memory_space<hbm>>
        tpu.enqueue_indirect_dma source(%dma_start3A_279 : memref<100000x128xf32, #tpu.memory_space<hbm>>) target(%dma_start3A_273 : memref<112x128xf32, #tpu.memory_space<vmem>>) offsets(%dma_start3A_276 : memref<112xi32, #tpu.memory_space<vmem>>) semaphore(%arg8 : memref<!tpu.dma_semaphore, #tpu.memory_space<semaphore_mem>>)
        %mul3A_280 = arith.constant 4 : i32
        %mul3A_281 = arith.muli %add3A_234, %mul3A_280 : i32
        %add3A_282 = arith.constant 3 : i32
        %add3A_283 = arith.addi %mul3A_281, %add3A_282 : i32
        %dma_start3A_284 = arith.constant 3 : i32
        %dma_start3A_285 = arith.constant 0 : i32
        %dma_start3A_286 = arith.constant 0 : i32
        %dma_start3A_287 = tpu.memref_slice %arg6[%dma_start3A_284, %dma_start3A_285, %dma_start3A_286] : memref<4x112x128xf32, #tpu.memory_space<vmem>> -> memref<1x112x128xf32, #tpu.memory_space<vmem>>
        %dma_start3A_288 = tpu.memref_squeeze %dma_start3A_287 : memref<1x112x128xf32, #tpu.memory_space<vmem>> -> memref<112x128xf32, #tpu.memory_space<vmem>>
        %dma_start3A_289 = arith.constant 0 : i32
        %dma_start3A_290 = tpu.memref_slice %arg5[%add3A_283, %dma_start3A_289] : memref<40x112xi32, #tpu.memory_space<vmem>> -> memref<1x112xi32, #tpu.memory_space<vmem>>
        %dma_start3A_291 = tpu.memref_squeeze %dma_start3A_290 : memref<1x112xi32, #tpu.memory_space<vmem>> -> memref<112xi32, #tpu.memory_space<vmem>>
        %dma_start3A_292 = arith.constant 0 : i32
        %dma_start3A_293 = arith.constant 0 : i32
        %dma_start3A_294 = tpu.memref_slice %arg2[%dma_start3A_292, %dma_start3A_293] : memref<100000x128xf32, #tpu.memory_space<hbm>> -> memref<100000x128xf32, #tpu.memory_space<hbm>>
        tpu.enqueue_indirect_dma source(%dma_start3A_294 : memref<100000x128xf32, #tpu.memory_space<hbm>>) target(%dma_start3A_288 : memref<112x128xf32, #tpu.memory_space<vmem>>) offsets(%dma_start3A_291 : memref<112xi32, #tpu.memory_space<vmem>>) semaphore(%arg8 : memref<!tpu.dma_semaphore, #tpu.memory_space<semaphore_mem>>)
      } else {
      }
      %dma_wait3A_176 = arith.constant 0 : i32
      %dma_wait3A_177 = arith.constant 0 : i32
      %dma_wait3A_178 = arith.constant 0 : i32
      %dma_wait3A_179 = arith.constant 0 : i32
      %dma_wait3A_180 = tpu.memref_slice %arg7[%dma_wait3A_177, %dma_wait3A_178, %dma_wait3A_179] : memref<4x112x128xf32, #tpu.memory_space<vmem>> -> memref<1x112x128xf32, #tpu.memory_space<vmem>>
      %dma_wait3A_181 = tpu.memref_squeeze %dma_wait3A_180 : memref<1x112x128xf32, #tpu.memory_space<vmem>> -> memref<112x128xf32, #tpu.memory_space<vmem>>
      %dma_wait3A_182 = arith.constant 0 : i32
      %dma_wait3A_183 = tpu.memref_slice %arg5[%dma_wait3A_176, %dma_wait3A_182] : memref<40x112xi32, #tpu.memory_space<vmem>> -> memref<1x112xi32, #tpu.memory_space<vmem>>
      %dma_wait3A_184 = tpu.memref_squeeze %dma_wait3A_183 : memref<1x112xi32, #tpu.memory_space<vmem>> -> memref<112xi32, #tpu.memory_space<vmem>>
      %dma_wait3A_185 = arith.constant 0 : i32
      %dma_wait3A_186 = arith.constant 0 : i32
      %dma_wait3A_187 = tpu.memref_slice %arg2[%dma_wait3A_185, %dma_wait3A_186] : memref<100000x128xf32, #tpu.memory_space<hbm>> -> memref<100000x128xf32, #tpu.memory_space<hbm>>
      tpu.wait_indirect_dma semaphore(%arg9 : memref<!tpu.dma_semaphore, #tpu.memory_space<semaphore_mem>>) src(%dma_wait3A_187 : memref<100000x128xf32, #tpu.memory_space<hbm>>) dst(%dma_wait3A_181 : memref<112x128xf32, #tpu.memory_space<vmem>>)
      %dma_wait3A_188 = arith.constant 0 : i32
      %dma_wait3A_189 = arith.constant 1 : i32
      %dma_wait3A_190 = arith.constant 0 : i32
      %dma_wait3A_191 = arith.constant 0 : i32
      %dma_wait3A_192 = tpu.memref_slice %arg7[%dma_wait3A_189, %dma_wait3A_190, %dma_wait3A_191] : memref<4x112x128xf32, #tpu.memory_space<vmem>> -> memref<1x112x128xf32, #tpu.memory_space<vmem>>
      %dma_wait3A_193 = tpu.memref_squeeze %dma_wait3A_192 : memref<1x112x128xf32, #tpu.memory_space<vmem>> -> memref<112x128xf32, #tpu.memory_space<vmem>>
      %dma_wait3A_194 = arith.constant 0 : i32
      %dma_wait3A_195 = tpu.memref_slice %arg5[%dma_wait3A_188, %dma_wait3A_194] : memref<40x112xi32, #tpu.memory_space<vmem>> -> memref<1x112xi32, #tpu.memory_space<vmem>>
      %dma_wait3A_196 = tpu.memref_squeeze %dma_wait3A_195 : memref<1x112xi32, #tpu.memory_space<vmem>> -> memref<112xi32, #tpu.memory_space<vmem>>
      %dma_wait3A_197 = arith.constant 0 : i32
      %dma_wait3A_198 = arith.constant 0 : i32
      %dma_wait3A_199 = tpu.memref_slice %arg2[%dma_wait3A_197, %dma_wait3A_198] : memref<100000x128xf32, #tpu.memory_space<hbm>> -> memref<100000x128xf32, #tpu.memory_space<hbm>>
      tpu.wait_indirect_dma semaphore(%arg9 : memref<!tpu.dma_semaphore, #tpu.memory_space<semaphore_mem>>) src(%dma_wait3A_199 : memref<100000x128xf32, #tpu.memory_space<hbm>>) dst(%dma_wait3A_193 : memref<112x128xf32, #tpu.memory_space<vmem>>)
      %dma_wait3A_200 = arith.constant 0 : i32
      %dma_wait3A_201 = arith.constant 2 : i32
      %dma_wait3A_202 = arith.constant 0 : i32
      %dma_wait3A_203 = arith.constant 0 : i32
      %dma_wait3A_204 = tpu.memref_slice %arg7[%dma_wait3A_201, %dma_wait3A_202, %dma_wait3A_203] : memref<4x112x128xf32, #tpu.memory_space<vmem>> -> memref<1x112x128xf32, #tpu.memory_space<vmem>>
      %dma_wait3A_205 = tpu.memref_squeeze %dma_wait3A_204 : memref<1x112x128xf32, #tpu.memory_space<vmem>> -> memref<112x128xf32, #tpu.memory_space<vmem>>
      %dma_wait3A_206 = arith.constant 0 : i32
      %dma_wait3A_207 = tpu.memref_slice %arg5[%dma_wait3A_200, %dma_wait3A_206] : memref<40x112xi32, #tpu.memory_space<vmem>> -> memref<1x112xi32, #tpu.memory_space<vmem>>
      %dma_wait3A_208 = tpu.memref_squeeze %dma_wait3A_207 : memref<1x112xi32, #tpu.memory_space<vmem>> -> memref<112xi32, #tpu.memory_space<vmem>>
      %dma_wait3A_209 = arith.constant 0 : i32
      %dma_wait3A_210 = arith.constant 0 : i32
      %dma_wait3A_211 = tpu.memref_slice %arg2[%dma_wait3A_209, %dma_wait3A_210] : memref<100000x128xf32, #tpu.memory_space<hbm>> -> memref<100000x128xf32, #tpu.memory_space<hbm>>
      tpu.wait_indirect_dma semaphore(%arg9 : memref<!tpu.dma_semaphore, #tpu.memory_space<semaphore_mem>>) src(%dma_wait3A_211 : memref<100000x128xf32, #tpu.memory_space<hbm>>) dst(%dma_wait3A_205 : memref<112x128xf32, #tpu.memory_space<vmem>>)
      %dma_wait3A_212 = arith.constant 0 : i32
      %dma_wait3A_213 = arith.constant 3 : i32
      %dma_wait3A_214 = arith.constant 0 : i32
      %dma_wait3A_215 = arith.constant 0 : i32
      %dma_wait3A_216 = tpu.memref_slice %arg7[%dma_wait3A_213, %dma_wait3A_214, %dma_wait3A_215] : memref<4x112x128xf32, #tpu.memory_space<vmem>> -> memref<1x112x128xf32, #tpu.memory_space<vmem>>
      %dma_wait3A_217 = tpu.memref_squeeze %dma_wait3A_216 : memref<1x112x128xf32, #tpu.memory_space<vmem>> -> memref<112x128xf32, #tpu.memory_space<vmem>>
      %dma_wait3A_218 = arith.constant 0 : i32
      %dma_wait3A_219 = tpu.memref_slice %arg5[%dma_wait3A_212, %dma_wait3A_218] : memref<40x112xi32, #tpu.memory_space<vmem>> -> memref<1x112xi32, #tpu.memory_space<vmem>>
      %dma_wait3A_220 = tpu.memref_squeeze %dma_wait3A_219 : memref<1x112xi32, #tpu.memory_space<vmem>> -> memref<112xi32, #tpu.memory_space<vmem>>
      %dma_wait3A_221 = arith.constant 0 : i32
      %dma_wait3A_222 = arith.constant 0 : i32
      %dma_wait3A_223 = tpu.memref_slice %arg2[%dma_wait3A_221, %dma_wait3A_222] : memref<100000x128xf32, #tpu.memory_space<hbm>> -> memref<100000x128xf32, #tpu.memory_space<hbm>>
      tpu.wait_indirect_dma semaphore(%arg9 : memref<!tpu.dma_semaphore, #tpu.memory_space<semaphore_mem>>) src(%dma_wait3A_223 : memref<100000x128xf32, #tpu.memory_space<hbm>>) dst(%dma_wait3A_217 : memref<112x128xf32, #tpu.memory_space<vmem>>)
      %mul3A_224 = arith.constant 2 : i32
      %mul3A_225 = arith.muli %mul3A_224, %scan3A_57 : i32
      %add3A_226 = arith.constant 1 : i32
      %add3A_227 = arith.addi %mul3A_225, %add3A_226 : i32
      %mul3A_228 = arith.constant 4 : i32
      %mul3A_229 = arith.muli %add3A_227, %mul3A_228 : i32
      %add3A_230 = arith.addi %mul3A_4, %mul3A_229 : i32
      "tpu.region"() ({
        %run_scoped3A = tpu.sem_alloc : memref<!tpu.dma_semaphore, #tpu.memory_space<semaphore_mem>>
        %dma_start3A_231 = arith.constant 0 : i32
        %dma_start3A_232 = arith.constant 0 : i32
        %dma_start3A_233 = tpu.memref_slice %arg4[%add3A_230, %dma_start3A_231, %dma_start3A_232] : memref<1280x112x128xf32, #tpu.memory_space<hbm>> -> memref<4x112x128xf32, #tpu.memory_space<hbm>>
        %dma_start3A_234 = arith.constant 0 : i32
        %dma_start3A_235 = arith.constant 0 : i32
        %dma_start3A_236 = tpu.memref_slice %arg4[%add3A_230, %dma_start3A_234, %dma_start3A_235] : memref<1280x112x128xf32, #tpu.memory_space<hbm>> -> memref<4x112x128xf32, #tpu.memory_space<hbm>>
        tpu.enqueue_dma source(%arg7 : memref<4x112x128xf32, #tpu.memory_space<vmem>>) target(%dma_start3A_236 : memref<4x112x128xf32, #tpu.memory_space<hbm>>) target_semaphore(%run_scoped3A : memref<!tpu.dma_semaphore, #tpu.memory_space<semaphore_mem>>)
        %dma_wait3A_237 = arith.constant 0 : i32
        %dma_wait3A_238 = arith.constant 0 : i32
        %dma_wait3A_239 = tpu.memref_slice %arg4[%add3A_230, %dma_wait3A_237, %dma_wait3A_238] : memref<1280x112x128xf32, #tpu.memory_space<hbm>> -> memref<4x112x128xf32, #tpu.memory_space<hbm>>
        %dma_wait3A_240 = arith.constant 0 : i32
        %dma_wait3A_241 = arith.constant 0 : i32
        %dma_wait3A_242 = tpu.memref_slice %arg4[%add3A_230, %dma_wait3A_240, %dma_wait3A_241] : memref<1280x112x128xf32, #tpu.memory_space<hbm>> -> memref<4x112x128xf32, #tpu.memory_space<hbm>>
        tpu.wait_dma2 semaphore(%run_scoped3A : memref<!tpu.dma_semaphore, #tpu.memory_space<semaphore_mem>>) src(%arg7 : memref<4x112x128xf32, #tpu.memory_space<vmem>>) dst(%dma_wait3A_242 : memref<4x112x128xf32, #tpu.memory_space<hbm>>)
        tpu.yield
      }) : () -> ()
    }
    %scan3A_56 = arith.constant 5 : i32
    return
  }
}

module attributes {stable_mosaic.version = 14 : i64} {
  func.func @_att_stage_body(%arg0: i32, %arg1: memref<2048x128xf32, #tpu.memory_space<vmem>>, %arg2: memref<128x128xf32, #tpu.memory_space<vmem>>, %arg3: memref<128x128xf32, #tpu.memory_space<vmem>>, %arg4: memref<128x128xf32, #tpu.memory_space<vmem>>, %arg5: memref<1x128xf32, #tpu.memory_space<vmem>>, %arg6: memref<128x128xf32, #tpu.memory_space<vmem>>, %arg7: memref<1x128xf32, #tpu.memory_space<vmem>>, %arg8: memref<128x128xf32, #tpu.memory_space<vmem>>, %arg9: memref<128x2048xf32, #tpu.memory_space<vmem>>, %arg10: memref<128x128xf32, #tpu.memory_space<vmem>>) attributes {dimension_semantics = [#tpu.dimension_semantics<arbitrary>], iteration_bounds = array<i64: 64>, scalar_prefetch = 0 : i64, scratch_operands = 0 : i64, tpu.core_type = #tpu.core_type<tc>, window_params = [{transform_indices = @transform_0, window_bounds = array<i64: 2048, 128>}, {transform_indices = @transform_1, window_bounds = array<i64: 128, 128>}, {pipeline_mode = #tpu.pipeline_mode<synchronous>, transform_indices = @transform_2, window_bounds = array<i64: 128, 128>}, {pipeline_mode = #tpu.pipeline_mode<synchronous>, transform_indices = @transform_3, window_bounds = array<i64: 128, 128>}, {pipeline_mode = #tpu.pipeline_mode<synchronous>, transform_indices = @transform_4, window_bounds = array<i64: 1, 128>}, {pipeline_mode = #tpu.pipeline_mode<synchronous>, transform_indices = @transform_5, window_bounds = array<i64: 128, 128>}, {pipeline_mode = #tpu.pipeline_mode<synchronous>, transform_indices = @transform_6, window_bounds = array<i64: 1, 128>}, {pipeline_mode = #tpu.pipeline_mode<synchronous>, transform_indices = @transform_7, window_bounds = array<i64: 128, 128>}, {pipeline_mode = #tpu.pipeline_mode<synchronous>, transform_indices = @transform_8, window_bounds = array<i64: 128, 2048>}, {transform_indices = @transform_9, window_bounds = array<i64: 128, 128>}]} {
    %get3A = arith.constant 0 : index
    %get3A_0 = arith.constant 0 : index
    %get3A_1 = vector.load %arg1[%get3A, %get3A_0] : memref<2048x128xf32, #tpu.memory_space<vmem>>, vector<2048x128xf32>
    %get3A_2 = arith.constant 0 : index
    %get3A_3 = arith.constant 0 : index
    %get3A_4 = vector.load %arg2[%get3A_2, %get3A_3] : memref<128x128xf32, #tpu.memory_space<vmem>>, vector<128x128xf32>
    %get3A_5 = arith.constant 0 : index
    %get3A_6 = arith.constant 0 : index
    %get3A_7 = vector.load %arg4[%get3A_5, %get3A_6] : memref<128x128xf32, #tpu.memory_space<vmem>>, vector<128x128xf32>
    %dot_general3A = arith.constant dense<0.000000e+00> : vector<128x128xf32>
    %dot_general3A_8 = tpu.matmul %get3A_4, %get3A_7, %dot_general3A {dimension_numbers = #tpu.dot_dimension_numbers<[1], [0], [0], [1], [0, 0, 1, 1], [], []>, transpose_lhs_hint = false} : vector<128x128xf32>, vector<128x128xf32>, vector<128x128xf32> -> vector<128x128xf32>
    %get3A_9 = arith.constant 0 : index
    %get3A_10 = arith.constant 0 : index
    %get3A_11 = vector.load %arg5[%get3A_9, %get3A_10] : memref<1x128xf32, #tpu.memory_space<vmem>>, vector<1x128xf32>
    %add3A = vector.broadcast %get3A_11 : vector<1x128xf32> to vector<128x128xf32>
    %add3A_12 = arith.addf %dot_general3A_8, %add3A : vector<128x128xf32>
    %broadcast_in_dim3A = vector.shape_cast %add3A_12 : vector<128x128xf32> to vector<128x1x128xf32>
    %broadcast_in_dim3A_13 = vector.shape_cast %broadcast_in_dim3A : vector<128x1x128xf32> to vector<128x1x128xf32>
    %broadcast_in_dim3A_14 = vector.broadcast %broadcast_in_dim3A_13 : vector<128x1x128xf32> to vector<128x16x128xf32>
    %reshape3A = vector.shape_cast %broadcast_in_dim3A_14 : vector<128x16x128xf32> to vector<2048x128xf32>
    %get3A_15 = arith.constant 0 : index
    %get3A_16 = arith.constant 0 : index
    %get3A_17 = vector.load %arg3[%get3A_15, %get3A_16] : memref<128x128xf32, #tpu.memory_space<vmem>>, vector<128x128xf32>
    %dot_general3A_18 = arith.constant dense<0.000000e+00> : vector<2048x128xf32>
    %dot_general3A_19 = tpu.matmul %get3A_1, %get3A_17, %dot_general3A_18 {dimension_numbers = #tpu.dot_dimension_numbers<[1], [0], [0], [1], [0, 0, 1, 1], [], []>, transpose_lhs_hint = false} : vector<2048x128xf32>, vector<128x128xf32>, vector<2048x128xf32> -> vector<2048x128xf32>
    %add3A_20 = arith.addf %dot_general3A_19, %reshape3A : vector<2048x128xf32>
    %max3A = arith.constant 0.000000e+00 : f32
    %max3A_21 = vector.broadcast %max3A : f32 to vector<2048x128xf32>
    %max3A_22 = arith.maximumf %add3A_20, %max3A_21 : vector<2048x128xf32>
    %get3A_23 = arith.constant 0 : index
    %get3A_24 = arith.constant 0 : index
    %get3A_25 = vector.load %arg6[%get3A_23, %get3A_24] : memref<128x128xf32, #tpu.memory_space<vmem>>, vector<128x128xf32>
    %dot_general3A_26 = arith.constant dense<0.000000e+00> : vector<2048x128xf32>
    %dot_general3A_27 = tpu.matmul %max3A_22, %get3A_25, %dot_general3A_26 {dimension_numbers = #tpu.dot_dimension_numbers<[1], [0], [0], [1], [0, 0, 1, 1], [], []>, transpose_lhs_hint = false} : vector<2048x128xf32>, vector<128x128xf32>, vector<2048x128xf32> -> vector<2048x128xf32>
    %get3A_28 = arith.constant 0 : index
    %get3A_29 = arith.constant 0 : index
    %get3A_30 = vector.load %arg7[%get3A_28, %get3A_29] : memref<1x128xf32, #tpu.memory_space<vmem>>, vector<1x128xf32>
    %add3A_31 = vector.broadcast %get3A_30 : vector<1x128xf32> to vector<2048x128xf32>
    %add3A_32 = arith.addf %dot_general3A_27, %add3A_31 : vector<2048x128xf32>
    %max3A_33 = arith.constant 0.000000e+00 : f32
    %max3A_34 = vector.broadcast %max3A_33 : f32 to vector<2048x128xf32>
    %max3A_35 = arith.maximumf %add3A_32, %max3A_34 : vector<2048x128xf32>
    %get3A_36 = arith.constant 0 : index
    %get3A_37 = arith.constant 0 : index
    %get3A_38 = vector.load %arg8[%get3A_36, %get3A_37] : memref<128x128xf32, #tpu.memory_space<vmem>>, vector<128x128xf32>
    %dot_general3A_39 = arith.constant dense<0.000000e+00> : vector<2048x128xf32>
    %dot_general3A_40 = tpu.matmul %max3A_35, %get3A_38, %dot_general3A_39 {dimension_numbers = #tpu.dot_dimension_numbers<[1], [0], [0], [1], [0, 0, 1, 1], [], []>, transpose_lhs_hint = false} : vector<2048x128xf32>, vector<128x128xf32>, vector<2048x128xf32> -> vector<2048x128xf32>
    %exp3A = math.exp %dot_general3A_40 : vector<2048x128xf32>
    %get3A_41 = arith.constant 0 : index
    %get3A_42 = arith.constant 0 : index
    %get3A_43 = vector.load %arg9[%get3A_41, %get3A_42] : memref<128x2048xf32, #tpu.memory_space<vmem>>, vector<128x2048xf32>
    %dot_general3A_44 = arith.constant dense<0.000000e+00> : vector<128x128xf32>
    %dot_general3A_45 = tpu.matmul %get3A_43, %exp3A, %dot_general3A_44 {dimension_numbers = #tpu.dot_dimension_numbers<[1], [0], [0], [1], [0, 0, 1, 1], [], []>, transpose_lhs_hint = false} : vector<128x2048xf32>, vector<2048x128xf32>, vector<128x128xf32> -> vector<128x128xf32>
    %mul3A = arith.mulf %exp3A, %get3A_1 : vector<2048x128xf32>
    %dot_general3A_46 = arith.constant dense<0.000000e+00> : vector<128x128xf32>
    %dot_general3A_47 = tpu.matmul %get3A_43, %mul3A, %dot_general3A_46 {dimension_numbers = #tpu.dot_dimension_numbers<[1], [0], [0], [1], [0, 0, 1, 1], [], []>, transpose_lhs_hint = false} : vector<128x2048xf32>, vector<2048x128xf32>, vector<128x128xf32> -> vector<128x128xf32>
    %div3A = arith.divf %dot_general3A_47, %dot_general3A_45 : vector<128x128xf32>
    %swap3A = arith.constant 0 : index
    %swap3A_48 = arith.constant 0 : index
    %swap3A_49 = vector.load %arg10[%swap3A, %swap3A_48] : memref<128x128xf32, #tpu.memory_space<vmem>>, vector<128x128xf32>
    tpu.vector_store %arg10[%swap3A, %swap3A_48], %div3A {strides = array<i32>} : memref<128x128xf32, #tpu.memory_space<vmem>>, vector<128x128xf32>,
    return
  }
  func.func @transform_0(%arg0: i32) -> (i32, i32) {
    %c0_i32 = arith.constant 0 : i32
    %c0_i32_0 = arith.constant 0 : i32
    return %arg0, %c0_i32 : i32, i32
  }
  func.func @transform_1(%arg0: i32) -> (i32, i32) {
    %c0_i32 = arith.constant 0 : i32
    %c0_i32_0 = arith.constant 0 : i32
    return %arg0, %c0_i32 : i32, i32
  }
  func.func @transform_2(%arg0: i32) -> (i32, i32) {
    %c0_i32 = arith.constant 0 : i32
    %c0_i32_0 = arith.constant 0 : i32
    %c0_i32_1 = arith.constant 0 : i32
    return %c0_i32, %c0_i32_0 : i32, i32
  }
  func.func @transform_3(%arg0: i32) -> (i32, i32) {
    %c0_i32 = arith.constant 0 : i32
    %c0_i32_0 = arith.constant 0 : i32
    %c0_i32_1 = arith.constant 0 : i32
    return %c0_i32, %c0_i32_0 : i32, i32
  }
  func.func @transform_4(%arg0: i32) -> (i32, i32) {
    %c0_i32 = arith.constant 0 : i32
    %c0_i32_0 = arith.constant 0 : i32
    %c0_i32_1 = arith.constant 0 : i32
    return %c0_i32, %c0_i32_0 : i32, i32
  }
  func.func @transform_5(%arg0: i32) -> (i32, i32) {
    %c0_i32 = arith.constant 0 : i32
    %c0_i32_0 = arith.constant 0 : i32
    %c0_i32_1 = arith.constant 0 : i32
    return %c0_i32, %c0_i32_0 : i32, i32
  }
  func.func @transform_6(%arg0: i32) -> (i32, i32) {
    %c0_i32 = arith.constant 0 : i32
    %c0_i32_0 = arith.constant 0 : i32
    %c0_i32_1 = arith.constant 0 : i32
    return %c0_i32, %c0_i32_0 : i32, i32
  }
  func.func @transform_7(%arg0: i32) -> (i32, i32) {
    %c0_i32 = arith.constant 0 : i32
    %c0_i32_0 = arith.constant 0 : i32
    %c0_i32_1 = arith.constant 0 : i32
    return %c0_i32, %c0_i32_0 : i32, i32
  }
  func.func @transform_8(%arg0: i32) -> (i32, i32) {
    %c0_i32 = arith.constant 0 : i32
    %c0_i32_0 = arith.constant 0 : i32
    %c0_i32_1 = arith.constant 0 : i32
    return %c0_i32, %c0_i32_0 : i32, i32
  }
  func.func @transform_9(%arg0: i32) -> (i32, i32) {
    %c0_i32 = arith.constant 0 : i32
    %c0_i32_0 = arith.constant 0 : i32
    return %arg0, %c0_i32 : i32, i32
  }
}

module attributes {stable_mosaic.version = 14 : i64} {
  func.func @_att_stage_body(%arg0: i32, %arg1: memref<2048x128xf32, #tpu.memory_space<vmem>>, %arg2: memref<128x128xf32, #tpu.memory_space<vmem>>, %arg3: memref<128x128xf32, #tpu.memory_space<vmem>>, %arg4: memref<128x128xf32, #tpu.memory_space<vmem>>, %arg5: memref<1x128xf32, #tpu.memory_space<vmem>>, %arg6: memref<128x128xf32, #tpu.memory_space<vmem>>, %arg7: memref<1x128xf32, #tpu.memory_space<vmem>>, %arg8: memref<128x128xf32, #tpu.memory_space<vmem>>, %arg9: memref<128x2048xf32, #tpu.memory_space<vmem>>, %arg10: memref<128x128xf32, #tpu.memory_space<vmem>>) attributes {dimension_semantics = [#tpu.dimension_semantics<arbitrary>], iteration_bounds = array<i64: 4>, scalar_prefetch = 0 : i64, scratch_operands = 0 : i64, tpu.core_type = #tpu.core_type<tc>, window_params = [{transform_indices = @transform_0, window_bounds = array<i64: 2048, 128>}, {transform_indices = @transform_1, window_bounds = array<i64: 128, 128>}, {pipeline_mode = #tpu.pipeline_mode<synchronous>, transform_indices = @transform_2, window_bounds = array<i64: 128, 128>}, {pipeline_mode = #tpu.pipeline_mode<synchronous>, transform_indices = @transform_3, window_bounds = array<i64: 128, 128>}, {pipeline_mode = #tpu.pipeline_mode<synchronous>, transform_indices = @transform_4, window_bounds = array<i64: 1, 128>}, {pipeline_mode = #tpu.pipeline_mode<synchronous>, transform_indices = @transform_5, window_bounds = array<i64: 128, 128>}, {pipeline_mode = #tpu.pipeline_mode<synchronous>, transform_indices = @transform_6, window_bounds = array<i64: 1, 128>}, {pipeline_mode = #tpu.pipeline_mode<synchronous>, transform_indices = @transform_7, window_bounds = array<i64: 128, 128>}, {pipeline_mode = #tpu.pipeline_mode<synchronous>, transform_indices = @transform_8, window_bounds = array<i64: 128, 2048>}, {transform_indices = @transform_9, window_bounds = array<i64: 128, 128>}]} {
    %get3A = arith.constant 0 : index
    %get3A_0 = arith.constant 0 : index
    %get3A_1 = vector.load %arg1[%get3A, %get3A_0] : memref<2048x128xf32, #tpu.memory_space<vmem>>, vector<2048x128xf32>
    %get3A_2 = arith.constant 0 : index
    %get3A_3 = arith.constant 0 : index
    %get3A_4 = vector.load %arg2[%get3A_2, %get3A_3] : memref<128x128xf32, #tpu.memory_space<vmem>>, vector<128x128xf32>
    %get3A_5 = arith.constant 0 : index
    %get3A_6 = arith.constant 0 : index
    %get3A_7 = vector.load %arg4[%get3A_5, %get3A_6] : memref<128x128xf32, #tpu.memory_space<vmem>>, vector<128x128xf32>
    %dot_general3A = arith.constant dense<0.000000e+00> : vector<128x128xf32>
    %dot_general3A_8 = tpu.matmul %get3A_4, %get3A_7, %dot_general3A {dimension_numbers = #tpu.dot_dimension_numbers<[1], [0], [0], [1], [0, 0, 1, 1], [], []>, transpose_lhs_hint = false} : vector<128x128xf32>, vector<128x128xf32>, vector<128x128xf32> -> vector<128x128xf32>
    %get3A_9 = arith.constant 0 : index
    %get3A_10 = arith.constant 0 : index
    %get3A_11 = vector.load %arg5[%get3A_9, %get3A_10] : memref<1x128xf32, #tpu.memory_space<vmem>>, vector<1x128xf32>
    %add3A = vector.broadcast %get3A_11 : vector<1x128xf32> to vector<128x128xf32>
    %add3A_12 = arith.addf %dot_general3A_8, %add3A : vector<128x128xf32>
    %broadcast_in_dim3A = vector.shape_cast %add3A_12 : vector<128x128xf32> to vector<128x1x128xf32>
    %broadcast_in_dim3A_13 = vector.shape_cast %broadcast_in_dim3A : vector<128x1x128xf32> to vector<128x1x128xf32>
    %broadcast_in_dim3A_14 = vector.broadcast %broadcast_in_dim3A_13 : vector<128x1x128xf32> to vector<128x16x128xf32>
    %reshape3A = vector.shape_cast %broadcast_in_dim3A_14 : vector<128x16x128xf32> to vector<2048x128xf32>
    %get3A_15 = arith.constant 0 : index
    %get3A_16 = arith.constant 0 : index
    %get3A_17 = vector.load %arg3[%get3A_15, %get3A_16] : memref<128x128xf32, #tpu.memory_space<vmem>>, vector<128x128xf32>
    %dot_general3A_18 = arith.constant dense<0.000000e+00> : vector<2048x128xf32>
    %dot_general3A_19 = tpu.matmul %get3A_1, %get3A_17, %dot_general3A_18 {dimension_numbers = #tpu.dot_dimension_numbers<[1], [0], [0], [1], [0, 0, 1, 1], [], []>, transpose_lhs_hint = false} : vector<2048x128xf32>, vector<128x128xf32>, vector<2048x128xf32> -> vector<2048x128xf32>
    %add3A_20 = arith.addf %dot_general3A_19, %reshape3A : vector<2048x128xf32>
    %max3A = arith.constant 0.000000e+00 : f32
    %max3A_21 = vector.broadcast %max3A : f32 to vector<2048x128xf32>
    %max3A_22 = arith.maximumf %add3A_20, %max3A_21 : vector<2048x128xf32>
    %get3A_23 = arith.constant 0 : index
    %get3A_24 = arith.constant 0 : index
    %get3A_25 = vector.load %arg6[%get3A_23, %get3A_24] : memref<128x128xf32, #tpu.memory_space<vmem>>, vector<128x128xf32>
    %dot_general3A_26 = arith.constant dense<0.000000e+00> : vector<2048x128xf32>
    %dot_general3A_27 = tpu.matmul %max3A_22, %get3A_25, %dot_general3A_26 {dimension_numbers = #tpu.dot_dimension_numbers<[1], [0], [0], [1], [0, 0, 1, 1], [], []>, transpose_lhs_hint = false} : vector<2048x128xf32>, vector<128x128xf32>, vector<2048x128xf32> -> vector<2048x128xf32>
    %get3A_28 = arith.constant 0 : index
    %get3A_29 = arith.constant 0 : index
    %get3A_30 = vector.load %arg7[%get3A_28, %get3A_29] : memref<1x128xf32, #tpu.memory_space<vmem>>, vector<1x128xf32>
    %add3A_31 = vector.broadcast %get3A_30 : vector<1x128xf32> to vector<2048x128xf32>
    %add3A_32 = arith.addf %dot_general3A_27, %add3A_31 : vector<2048x128xf32>
    %max3A_33 = arith.constant 0.000000e+00 : f32
    %max3A_34 = vector.broadcast %max3A_33 : f32 to vector<2048x128xf32>
    %max3A_35 = arith.maximumf %add3A_32, %max3A_34 : vector<2048x128xf32>
    %get3A_36 = arith.constant 0 : index
    %get3A_37 = arith.constant 0 : index
    %get3A_38 = vector.load %arg8[%get3A_36, %get3A_37] : memref<128x128xf32, #tpu.memory_space<vmem>>, vector<128x128xf32>
    %dot_general3A_39 = arith.constant dense<0.000000e+00> : vector<2048x128xf32>
    %dot_general3A_40 = tpu.matmul %max3A_35, %get3A_38, %dot_general3A_39 {dimension_numbers = #tpu.dot_dimension_numbers<[1], [0], [0], [1], [0, 0, 1, 1], [], []>, transpose_lhs_hint = false} : vector<2048x128xf32>, vector<128x128xf32>, vector<2048x128xf32> -> vector<2048x128xf32>
    %exp3A = math.exp %dot_general3A_40 : vector<2048x128xf32>
    %get3A_41 = arith.constant 0 : index
    %get3A_42 = arith.constant 0 : index
    %get3A_43 = vector.load %arg9[%get3A_41, %get3A_42] : memref<128x2048xf32, #tpu.memory_space<vmem>>, vector<128x2048xf32>
    %dot_general3A_44 = arith.constant dense<0.000000e+00> : vector<128x128xf32>
    %dot_general3A_45 = tpu.matmul %get3A_43, %exp3A, %dot_general3A_44 {dimension_numbers = #tpu.dot_dimension_numbers<[1], [0], [0], [1], [0, 0, 1, 1], [], []>, transpose_lhs_hint = false} : vector<128x2048xf32>, vector<2048x128xf32>, vector<128x128xf32> -> vector<128x128xf32>
    %mul3A = arith.mulf %exp3A, %get3A_1 : vector<2048x128xf32>
    %dot_general3A_46 = arith.constant dense<0.000000e+00> : vector<128x128xf32>
    %dot_general3A_47 = tpu.matmul %get3A_43, %mul3A, %dot_general3A_46 {dimension_numbers = #tpu.dot_dimension_numbers<[1], [0], [0], [1], [0, 0, 1, 1], [], []>, transpose_lhs_hint = false} : vector<128x2048xf32>, vector<2048x128xf32>, vector<128x128xf32> -> vector<128x128xf32>
    %div3A = arith.divf %dot_general3A_47, %dot_general3A_45 : vector<128x128xf32>
    %swap3A = arith.constant 0 : index
    %swap3A_48 = arith.constant 0 : index
    %swap3A_49 = vector.load %arg10[%swap3A, %swap3A_48] : memref<128x128xf32, #tpu.memory_space<vmem>>, vector<128x128xf32>
    tpu.vector_store %arg10[%swap3A, %swap3A_48], %div3A {strides = array<i32>} : memref<128x128xf32, #tpu.memory_space<vmem>>, vector<128x128xf32>,
    return
  }
  func.func @transform_0(%arg0: i32) -> (i32, i32) {
    %c0_i32 = arith.constant 0 : i32
    %c0_i32_0 = arith.constant 0 : i32
    return %arg0, %c0_i32 : i32, i32
  }
  func.func @transform_1(%arg0: i32) -> (i32, i32) {
    %c0_i32 = arith.constant 0 : i32
    %c0_i32_0 = arith.constant 0 : i32
    return %arg0, %c0_i32 : i32, i32
  }
  func.func @transform_2(%arg0: i32) -> (i32, i32) {
    %c0_i32 = arith.constant 0 : i32
    %c0_i32_0 = arith.constant 0 : i32
    %c0_i32_1 = arith.constant 0 : i32
    return %c0_i32, %c0_i32_0 : i32, i32
  }
  func.func @transform_3(%arg0: i32) -> (i32, i32) {
    %c0_i32 = arith.constant 0 : i32
    %c0_i32_0 = arith.constant 0 : i32
    %c0_i32_1 = arith.constant 0 : i32
    return %c0_i32, %c0_i32_0 : i32, i32
  }
  func.func @transform_4(%arg0: i32) -> (i32, i32) {
    %c0_i32 = arith.constant 0 : i32
    %c0_i32_0 = arith.constant 0 : i32
    %c0_i32_1 = arith.constant 0 : i32
    return %c0_i32, %c0_i32_0 : i32, i32
  }
  func.func @transform_5(%arg0: i32) -> (i32, i32) {
    %c0_i32 = arith.constant 0 : i32
    %c0_i32_0 = arith.constant 0 : i32
    %c0_i32_1 = arith.constant 0 : i32
    return %c0_i32, %c0_i32_0 : i32, i32
  }
  func.func @transform_6(%arg0: i32) -> (i32, i32) {
    %c0_i32 = arith.constant 0 : i32
    %c0_i32_0 = arith.constant 0 : i32
    %c0_i32_1 = arith.constant 0 : i32
    return %c0_i32, %c0_i32_0 : i32, i32
  }
  func.func @transform_7(%arg0: i32) -> (i32, i32) {
    %c0_i32 = arith.constant 0 : i32
    %c0_i32_0 = arith.constant 0 : i32
    %c0_i32_1 = arith.constant 0 : i32
    return %c0_i32, %c0_i32_0 : i32, i32
  }
  func.func @transform_8(%arg0: i32) -> (i32, i32) {
    %c0_i32 = arith.constant 0 : i32
    %c0_i32_0 = arith.constant 0 : i32
    %c0_i32_1 = arith.constant 0 : i32
    return %c0_i32, %c0_i32_0 : i32, i32
  }
  func.func @transform_9(%arg0: i32) -> (i32, i32) {
    %c0_i32 = arith.constant 0 : i32
    %c0_i32_0 = arith.constant 0 : i32
    return %arg0, %c0_i32 : i32, i32
  }
}

</mosaic_0001>

<sc_bundles>
// kernel: kernel.5.cloned.1.call-start
scs
__scs_entry_jumppad:
0x0: {  	(pc) =	sbr.rel $0x88, $3  }
0x1: {  	(tag) =	ssettag $0x0;
	lr =	simm.s32 $0x1  }
0x2: {  	[smem:$0x3F98] =	sst lr;
	_ =	strace $0xD0000000  }
0x3: {  	_ = 	snop  }
0x4: {  	_ = 	snop  }
0x5: {  	_ = 	snop  }
0x6: {  	_ = 	snop  }
0x7: {  	_ = 	snop  }
__scs_overlays_trampoline_lowered:
0x8: {  	[smem:$0x3FA7] =	sst s0  }
0x9: {  	[smem:$0x3FA8] =	sst s1  }
0xa: {  	[smem:$0x3FA9] =	sst s2  }
0xb: {  	[smem:$0x3FAA] =	sst s3  }
0xc: {  	[smem:$0x3FAB] =	sst s4  }
0xd: {  	[smem:$0x3FAC] =	sst s5  }
0xe: {  	[smem:$0x3FAD] =	sst s6  }
0xf: {  	[smem:$0x3FAE] =	sst s7  }
0x10: {  	[smem:$0x3FAF] =	sst s8  }
0x11: {  	[smem:$0x3FB0] =	sst s9;
	s0 =	simm.s32 @!p0 $0x0  }
0x12: {  	s1 =	sld [smem:$0x3F96];
	s0 =	simm.s32 @p0 $0x1  }
0x13: {  	[smem:$0x3FB1] =	sst s0;
	s0 =	simm.s32 @!p1 $0x0  }
0x14: {  	s2 =	sld [smem:$0x3F95];
	s0 =	simm.s32 @p1 $0x1  }
0x15: {  	[smem:$0x3FB2] =	sst s0;
	s0 =	simm.s32 @!p2 $0x0  }
0x16: {  	s3 =	sld [smem:$0x3FDB];
	s0 =	simm.s32 @p2 $0x1  }
0x17: {  	s4 =	simm.s32 $0x1BF5;
	[smem:$0x3FB4] =	sst s0  }
0x18: {  	s0 =	sld [smem:$0x3F97];
	_ =	swait.ge [sflag:s4], $0x0  }
0x19: {  	s7 =	sld [smem:$0x3F98]  }
0x1a: {  	s8 =	sadd.s32 $0xFFFFE003, lr  }
0x1b: {  	s9 =	sadd.s32 $0xFFFFFEF7, lr;
	s5 =	simm.s32 $0xFFFFFFFF;
	p2 =	slt.u32 s8, $0xFFFFF086  }
0x1c: {  	p1 =	slt.u32 s9, $0xF7A;
	s5 =	simm.s32 @!p2 $0x0  }
0x1d: {  	s5 =	simm.s32 @p1 $0x1;
	p0 =	seq.s32 s7, s2  }
0x1e: {  	s7 =	smul.u32 @!p0 $0xF7A, s2;
	p2 =	seq.s32 @!p0 s5, $0x0  }
0x1f: {  	s9 =	smul.u32 $0xF7A, s1;
	s8 =	simm.s32 @!p0 $0x1BF5;
	p2 =	por !p2, p0  }
0x20: {  	[sflag:s8] =	ssyncset.s32 @!p0 $0xFFFFF086;
	s6 =	sadd.s32 @!p0 s3, s7;
	s7 =	simm.s32 @!p0 $0x108  }
0x21: {  	s3 =	sadd.s32 s3, s9;
	s6 =	sadd.s32 @!p0 $0x88, s6;
	s7 =	simm.s32 @p2 $0x1082  }
0x22: {  	[simem:s7], [sflag:s8] =	dma.local @!p0 [hbm:s6], $0xF7A  }
0x23: {  	s9 =	sor.u32 $0xD0000000, s2;
	s6 =	simm.s32 $0x108;
	_ =	swait.ge @!p0 [sflag:s8], $0x0  }
0x24: {  	s3 =	sadd.s32 $0x88, s3;
	s6 =	simm.s32 @!p1 $0x1082;
	[sflag:s4] =	ssyncset.s32 $0xFFFFF086  }
0x25: {  	[simem:s6], [sflag:s4] =	dma.local [hbm:s3], $0xF7A  }
0x26: {  	[smem:$0x3F98] =	sst s1;
	(tag) =	ssettag s2;
	_ =	strace s9  }
0x27: {  	s1 =	sld [smem:$0x3FA8]  }
0x28: {  	s2 =	sld [smem:$0x3FA9]  }
0x29: {  	s4 =	sld [smem:$0x3FAB]  }
0x2a: {  	p0 =	seq.s32 s5, $0x0;
	s5 =	sld [smem:$0x3FAC]  }
0x2b: {  	s6 =	sld [smem:$0x3FAD]  }
0x2c: {  	s7 =	sld [smem:$0x3FAE]  }
0x2d: {  	s3 =	simm.s32 $0x108;
	s8 =	sld [smem:$0x3FAF]  }
0x2e: {  	s3 =	simm.s32 @!p0 $0x1082;
	s9 =	sld [smem:$0x3FB0]  }
0x2f: {  	lr =	sadd.s32 s0, s3;
	s0 =	sld [smem:$0x3FA7]  }
0x30: {  	s3 =	sld [smem:$0x3FAA]  }
0x31: {  	[smem:$0x3FB3] =	sst s10  }
0x32: {  	s10 =	sld [smem:$0x3FB1];
	_ =	sdelay $0x3  }
0x33: {  	p0 =	seq.s32 s10, $0x1;
	s10 =	sld [smem:$0x3FB3];
	_ =	sdelay $0x3  }
0x34: {  	[smem:$0x3FB3] =	sst s10  }
0x35: {  	s10 =	sld [smem:$0x3FB2];
	_ =	sdelay $0x3  }
0x36: {  	p1 =	seq.s32 s10, $0x1;
	s10 =	sld [smem:$0x3FB3];
	_ =	sdelay $0x3  }
0x37: {  	[smem:$0x3FB3] =	sst s10  }
0x38: {  	s10 =	sld [smem:$0x3FB4]  }
0x39: {  	_ = 	snop;
	(pc) =	sbr.ind lr, $3  }
0x3a: {  	_ = 	snop  }
0x3b: {  	_ = 	snop  }
0x3c: {  	p2 =	seq.s32 s10, $0x1;
	s10 =	sld [smem:$0x3FB3]  }
0x3d: {  	_ =	shalt  }
0x3e: {  	_ =	shalt  }
0x3f: {  	_ =	shalt  }
0x40: {  	_ =	shalt  }
0x41: {  	_ =	shalt  }
0x42: {  	_ =	shalt  }
0x43: {  	_ =	shalt  }
0x44: {  	_ =	shalt  }
0x45: {  	_ =	shalt  }
0x46: {  	_ =	shalt  }
0x47: {  	_ =	shalt  }
0x48: {  	_ =	shalt  }
0x49: {  	_ =	shalt  }
0x4a: {  	_ =	shalt  }
0x4b: {  	_ =	shalt  }
0x4c: {  	_ =	shalt  }
0x4d: {  	_ =	shalt  }
0x4e: {  	_ =	shalt  }
0x4f: {  	_ =	shalt  }
0x50: {  	_ =	shalt  }
0x51: {  	_ =	shalt  }
0x52: {  	_ =	shalt  }
0x53: {  	_ =	shalt  }
0x54: {  	_ =	shalt  }
0x55: {  	_ =	shalt  }
0x56: {  	_ =	shalt  }
0x57: {  	_ =	shalt  }
0x58: {  	_ =	shalt  }
0x59: {  	_ =	shalt  }
0x5a: {  	_ =	shalt  }
0x5b: {  	_ =	shalt  }
0x5c: {  	_ =	shalt  }
0x5d: {  	_ =	shalt  }
0x5e: {  	_ =	shalt  }
0x5f: {  	_ =	shalt  }
0x60: {  	_ =	shalt  }
0x61: {  	_ =	shalt  }
0x62: {  	_ =	shalt  }
0x63: {  	_ =	shalt  }
0x64: {  	_ =	shalt  }
0x65: {  	_ =	shalt  }
0x66: {  	_ =	shalt  }
0x67: {  	_ =	shalt  }
0x68: {  	_ =	shalt  }
0x69: {  	_ =	shalt  }
0x6a: {  	_ =	shalt  }
0x6b: {  	_ =	shalt  }
0x6c: {  	_ =	shalt  }
0x6d: {  	_ =	shalt  }
0x6e: {  	_ =	shalt  }
0x6f: {  	_ =	shalt  }
0x70: {  	_ =	shalt  }
0x71: {  	_ =	shalt  }
0x72: {  	_ =	shalt  }
0x73: {  	_ =	shalt  }
0x74: {  	_ =	shalt  }
0x75: {  	_ =	shalt  }
0x76: {  	_ =	shalt  }
0x77: {  	_ =	shalt  }
0x78: {  	_ =	shalt  }
0x79: {  	_ =	shalt  }
0x7a: {  	_ =	shalt  }
0x7b: {  	_ =	shalt  }
0x7c: {  	_ =	shalt  }
0x7d: {  	_ =	shalt  }
0x7e: {  	_ =	shalt  }
0x7f: {  	_ =	shalt  }
0x80: {  	_ =	shalt  }
0x81: {  	_ =	shalt  }
0x82: {  	_ =	shalt  }
0x83: {  	_ =	shalt  }
0x84: {  	_ =	shalt  }
0x85: {  	_ =	shalt  }
0x86: {  	_ =	shalt  }
0x87: {  	_ =	shalt  }
.Lfunc_end0:
.L_simem_size_0:
called_computation_lowered:
.L_overlay_start_0:
0x88: {  	s2 =	sld [smem:$0x3FD9]  }
0x89: {  	s3 =	sld [smem:$0x3FFE];
	_ =	sdelay $0x1  }
0x8a: {  	s1 =	srdreg.scid  }
0x8b: {  	s0 =	sand.u32 $0x1, s1  }
0x8c: {  	s17 =	sshll.u32 s0, $0xA;
	s2 =	sadd.s32 s3, s2  }
0x8d: {  	s2 =	sadd.s32 s2, s17  }
0x8e: {  	[smem:$0x3FBF] =	sst s2  }
0x8f: {  	_ = 	snop  }
0x90: {  	s2 =	sld [smem:$0x3FC6];
	(tm) =	ssettm $0x1  }
0x91: {  	s18 =	sld [smem:$0x3FFB];
	_ =	sdelay $0x3  }
0x92: {  	_ =	strace s18  }
0x93: {  	s3 =	sld [smem:$0x3FFC];
	_ =	sdelay $0x3  }
0x94: {  	_ =	strace s3  }
0x95: {  	s3 =	sld [smem:$0x3FFD];
	_ =	sdelay $0x3  }
0x96: {  	_ =	strace s3  }
0x97: {  	_ =	strace $0x8FFFFFFF  }
0x98: {  	s19 =	sld [smem:$0x3FDB];
	_ =	sdelay $0x1  }
0x99: {  	s4 =	simm.s32 $_scs_section_size  }
0x9a: {  	s5 =	simm.s32 $_size__tile_overlayer_lowered;
	s6 =	simm.s32 $_tile_overlayer_lowered  }
0x9b: {  	s22 =	simm.s32 $0x1BFF;
	s21 =	sshll.u32 s6, $0x1;
	s3 =	sadd.s32 s4, s19  }
0x9c: {  	s7 =	simm.s32 $0x0;
	s20 =	sshll.u32 s5, $0x1;
	s5 =	sadd.s32 s21, s3  }
0x9d: {  	[timem:s7], [sflag:s22] =	dma.local [hbm:s5], s20  }
0x9e: {  	_ =	swait.ge [sflag:s22], s20  }
0x9f: {  	s4 =	ssub.s32 $0x0, s20;
	[sflag:s22] =	ssyncset.done $0x0  }
0xa0: {  	[sflag:s22] =	ssyncadd.s32 s4;
	_ =	sdelay $0x1  }
0xa1: {  	s23 =	simm.s32 $0x1B8B  }
0xa2: {  	_ =	swait.ge [sflag:s23], $0x1  }
0xa3: {  	[sflag:s23] =	ssyncset.done $0x0  }
0xa4: {  	s25 =	simm.s32 $0x1B8E;
	s24 =	sld [smem:$0x3FFE];
	[sflag:s23] =	ssyncadd.s32 $0xFFFFFFFF  }
0xa5: {  	s26 =	simm.s32 $execute0_lowered;
	[smem:$0x3FD2] =	sst s25  }
0xa6: {  	s5 =	sshll.u32 s26, $0x1;
	_ =	strace $0x80000046;
	[dreg:$0x1] =	wrdreg $0xFFFFFFFF  }
0xa7: {  	s28 =	simm.s32 $_size_execute0_lowered;
	s3 =	sadd.s32 s3, s5;
	[dreg:$0x0] =	wrdreg $0x0  }
0xa8: {  	s5 =	sshll.u32 s28, $0x1;
	[dreg:$0x2] =	wrdreg s3  }
0xa9: {  	[dreg:$0x3] =	wrdreg s5  }
0xaa: {  	[dreg:$0x4] =	wrdreg $0xC0  }
0xab: {  	_ =	task [dreg:s7], $0x5FFFF  }
0xac: {  	[dreg:$0x1] =	wrdreg $0xFFFFFFFF  }
0xad: {  	[dreg:$0x0] =	wrdreg $0x60  }
0xae: {  	[dreg:$0x2] =	wrdreg s2  }
0xaf: {  	[dreg:$0x3] =	wrdreg s24  }
0xb0: {  	[dreg:$0x4] =	wrdreg $0x9  }
0xb1: {  	_ =	task.clear_ibuf [dreg:s7], $0x5FFFF;
	_ =	strace $0x90000046  }
0xb2: {  	s29 =	simm.s32 $0x9;
	_ =	strace $0x80000048  }
0xb3: {  	_ =	swait.ge [sflag:s29], $0x1  }
0xb4: {  	[sflag:s29] =	ssyncadd.s32 $0xFFFFFFFF  }
0xb5: {  	_ =	strace $0x90000048  }
0xb6: {  	_ =	sfence  }
0xb7: {  	s30 =	sld [smem:$0x0];
	_ =	sdelay $0x2  }
0xb8: {  	s31 =	sshll.u32 s1, $0xD;
	s1 =	sshrl.u32 s1, $0x2  }
0xb9: {  	s3 =	sand.u32 $0x4000, s31;
	s1 =	sadd.s32 s1, s30  }
0xba: {  	s0 =	sor.u32 s3, s0;
	s1 =	sshll.u32 s1, $0x11  }
0xbb: {  	s0 =	sor.u32 s1, s0  }
0xbc: {  	s0 =	sadd.s32 $0x8F2B, s0  }
0xbd: {  	[sflag:s0] =	ssyncadd.remote.s32 $0x1  }
0xbe: {  	_ =	sfence.sel $0xFFFF  }
0xbf: {  	[dreg:$0x0] =	wrdreg $0xFFFFFFFF;
	(pc) =	sbr.abs _section_cstart, $3  }
0xc0: {  	[dreg:$0x1] =	wrdreg $0xFFFFFFFF  }
0xc1: {  	_ =	task.clear_ibuf [dreg:s7], $0x2FFFF;
	_ =	strace $0x9FFFFFFF  }
0xc2: {  	(tm) =	ssettm $0x7FFFFFFF  }
0xc3: {  	_ =	shalt  }
tec
execute0_lowered:
.L_overlay_start_1:
0x0: {  	(tag) =	ssettag $0x1  }
0x1: {  	s0 =	srdreg.scid;
	s2 =	rddreg [dreg:$0x0]  }
0x2: {  	s7 =	stileid.u32;
	s4 =	rddreg [dreg:$0x1];
	s3 =	simm.s32 $0x0  }
0x3: {  	s10 =	simm.s32 $0x70;
	s11 =	simm.s32 $0x1400;
	s13 =	simm.s32 $0x4C00  }
0x4: {  	s15 =	simm.s32 $0x8400;
	s16 =	simm.s32 $0x180;
	s17 =	simm.s32 $0xBC00  }
0x5: {  	s18 =	simm.s32 $0xF400;
	s19 =	simm.s32 $0x12C00;
	s20 =	simm.s32 $0x16400  }
0x6: {  	s21 =	simm.s32 $0x19C00;
	s22 =	simm.s32 $0x1;
	s23 =	simm.s32 $0x2  }
0x7: {  	s24 =	simm.s32 $0x1200;
	s25 =	simm.s32 $0x1280;
	s26 =	simm.s32 $0x1300  }
0x8: {  	s28 =	simm.s32 $0x1380;
	s29 =	simm.s32 $0x0;
	s0 =	sand.u32 $0x1, s0  }
0x9: {  	s1 =	sshll.u32 s7, $0x1;
	[smem:$0x7FF] =	sst s3;
	s9 =	smul.u32 $0x23000, s7  }
0xa: {  	s1 =	sor.u32 s0, s1;
	s6 =	ssub.s32 $0x2, s0;
	s0 =	smul.u32 $0x11800, s0  }
0xb: {  	s8 =	sadd.s32 $0x6000, s4;
	_ =	strace $0x80000047;
	s5 =	smul.u32 $0x280, s1  }
0xc: {  	s30 =	sshrl.u32 s6, $0x1;
	s1 =	smul.u32 $0x11800, s1;
	s31 =	sadd.s32 s9, s8  }
0xd: {  	s9 =	simm.s32 $0x3;
	s6 =	ssub.s32 s6, s30;
	s5 =	sadd.s32 s5, s4  }
0xe: {  	s1 =	sadd.s32 s8, s1;
	s8 =	sadd.s32 s0, s31;
	s4 =	sadd.s32 $0x1000, s5  }
0xf: {  	s5 =	smax.u32 s6, $0x1;
	s6 =	sadd.s32 $0xE000, s1;
	s7 =	sadd.s32 $0xFC00, s1  }
.LBB2_1:
0x10: {  	[tilespmem:s3], [sflag:$0x3] =	stream.linear.gather [hbm4b:s4+s3], $0x1400, $0x38;
	[tilespmem:$0x1D400] =	vst v63  }
0x11: {  	_ =	swait.ge [sflag:s9], $0x1400  }
0x12: {  	[sflag:s9] =	ssyncset.done $0x0  }
0x13: {  	[sflag:s9] =	ssyncadd.s32 $0xFFFFEC00  }
0x14: {  	[tilespmem:s11], [sflag:$0x1] =	stream.indirect.gather [hbm4b:s2+s10], $0x80, s3, s10, $0xb8;
	[tilespmem:$0x1D400] =	vst v63  }
0x15: {  	s0 =	simm.s32 $0x80  }
0x16: {  	[tilespmem:s13], [sflag:$0x1] =	stream.indirect.gather [hbm4b:s2+s10], $0x80, s0, s10, $0xb8;
	[tilespmem:$0x1D400] =	vst v63  }
0x17: {  	s14 =	simm.s32 $0x100  }
0x18: {  	[tilespmem:s15], [sflag:$0x1] =	stream.indirect.gather [hbm4b:s2+s10], $0x80, s14, s10, $0xb8;
	[tilespmem:$0x1D400] =	vst v63  }
0x19: {  	_ = 	snop  }
0x1a: {  	[tilespmem:s17], [sflag:$0x1] =	stream.indirect.gather [hbm4b:s2+s10], $0x80, s16, s10, $0xb8;
	[tilespmem:$0x1D400] =	vst v63  }
0x1b: {  	s1 =	simm.s32 $0x200  }
0x1c: {  	[tilespmem:s18], [sflag:$0x2] =	stream.indirect.gather [hbm4b:s2+s10], $0x80, s1, s10, $0xb8;
	[tilespmem:$0x1D400] =	vst v63  }
0x1d: {  	s12 =	simm.s32 $0x280  }
0x1e: {  	[tilespmem:s19], [sflag:$0x2] =	stream.indirect.gather [hbm4b:s2+s10], $0x80, s12, s10, $0xb8;
	[tilespmem:$0x1D400] =	vst v63  }
0x1f: {  	s14 =	simm.s32 $0x300  }
0x20: {  	[tilespmem:s20], [sflag:$0x2] =	stream.indirect.gather [hbm4b:s2+s10], $0x80, s14, s10, $0xb8;
	[tilespmem:$0x1D400] =	vst v63  }
0x21: {  	s1 =	simm.s32 $0x380  }
0x22: {  	[tilespmem:s21], [sflag:$0x2] =	stream.indirect.gather [hbm4b:s2+s10], $0x80, s1, s10, $0xb8;
	[tilespmem:$0x1D400] =	vst v63  }
0x23: {  	_ =	swait.ge [sflag:s22], $0x3800  }
0x24: {  	[sflag:s22] =	ssyncset.done $0x0  }
0x25: {  	[sflag:s22] =	ssyncadd.s32 $0xFFFFC800  }
0x26: {  	_ =	swait.ge [sflag:s22], $0x3800  }
0x27: {  	[sflag:s22] =	ssyncset.done $0x0  }
0x28: {  	[sflag:s22] =	ssyncadd.s32 $0xFFFFC800  }
0x29: {  	_ =	swait.ge [sflag:s22], $0x3800  }
0x2a: {  	[sflag:s22] =	ssyncset.done $0x0  }
0x2b: {  	[sflag:s22] =	ssyncadd.s32 $0xFFFFC800  }
0x2c: {  	_ =	swait.ge [sflag:s22], $0x3800  }
0x2d: {  	[sflag:s22] =	ssyncset.done $0x0  }
0x2e: {  	[sflag:s22] =	ssyncadd.s32 $0xFFFFC800  }
0x2f: {  	[hbm4b:s8+s3] =	stream.linear.scatter [tilespmem:s11], [sflag:$0x3], $0xE000, $0x38;
	[tilespmem:$0x1D400] =	vst v63  }
0x30: {  	_ =	swait.ge [sflag:s9], $0xE000  }
0x31: {  	[sflag:s9] =	ssyncset.done $0x0  }
0x32: {  	s12 =	simm.s32 $0x400;
	[sflag:s9] =	ssyncadd.s32 $0xFFFF2000  }
0x33: {  	[tilespmem:s11], [sflag:$0x1] =	stream.indirect.gather [hbm4b:s2+s10], $0x80, s12, s10, $0xb8;
	[tilespmem:$0x1D400] =	vst v63  }
0x34: {  	s14 =	simm.s32 $0x480  }
0x35: {  	[tilespmem:s13], [sflag:$0x1] =	stream.indirect.gather [hbm4b:s2+s10], $0x80, s14, s10, $0xb8;
	[tilespmem:$0x1D400] =	vst v63  }
0x36: {  	s1 =	simm.s32 $0x500  }
0x37: {  	[tilespmem:s15], [sflag:$0x1] =	stream.indirect.gather [hbm4b:s2+s10], $0x80, s1, s10, $0xb8;
	[tilespmem:$0x1D400] =	vst v63  }
0x38: {  	s12 =	simm.s32 $0x580  }
0x39: {  	[tilespmem:s17], [sflag:$0x1] =	stream.indirect.gather [hbm4b:s2+s10], $0x80, s12, s10, $0xb8;
	[tilespmem:$0x1D400] =	vst v63  }
0x3a: {  	_ =	swait.ge [sflag:s23], $0x3800  }
0x3b: {  	[sflag:s23] =	ssyncset.done $0x0  }
0x3c: {  	[sflag:s23] =	ssyncadd.s32 $0xFFFFC800  }
0x3d: {  	_ =	swait.ge [sflag:s23], $0x3800  }
0x3e: {  	[sflag:s23] =	ssyncset.done $0x0  }
0x3f: {  	[sflag:s23] =	ssyncadd.s32 $0xFFFFC800  }
0x40: {  	_ =	swait.ge [sflag:s23], $0x3800  }
0x41: {  	[sflag:s23] =	ssyncset.done $0x0  }
0x42: {  	[sflag:s23] =	ssyncadd.s32 $0xFFFFC800  }
0x43: {  	_ =	swait.ge [sflag:s23], $0x3800  }
0x44: {  	[sflag:s23] =	ssyncset.done $0x0  }
0x45: {  	s14 =	sadd.s32 $0x1C00, s8;
	[sflag:s23] =	ssyncadd.s32 $0xFFFFC800  }
0x46: {  	[hbm4b:s14+s3] =	stream.linear.scatter [tilespmem:s18], [sflag:$0x3], $0xE000, $0x38;
	[tilespmem:$0x1D400] =	vst v63  }
0x47: {  	s31 =	simm.s32 $0x400;
	_ =	swait.ge [sflag:s9], $0xE000  }
0x48: {  	s30 =	sadd.s32 $0x3800, s8;
	s1 =	simm.s32 $0x2000;
	[sflag:s9] =	ssyncset.done $0x0  }
.LBB2_2:
0x49: {  	s14 =	sadd.s32 $0x200, s31  }
0x4a: {  	[sflag:s9] =	ssyncadd.s32 $0xFFFF2000;
	s0 =	smov.u32 s1;
	s12 =	sadd.s32 $0x1000, s1  }
0x4b: {  	[tilespmem:s18], [sflag:$0x2] =	stream.indirect.gather [hbm4b:s2+s10], $0x80, s14, s10, $0xb8;
	[tilespmem:$0x1D400] =	vst v63  }
0x4c: {  	p0 =	sne.s32 s1, $0x3000;
	s1 =	sadd.s32 $0x280, s31  }
0x4d: {  	[tilespmem:s19], [sflag:$0x2] =	stream.indirect.gather [hbm4b:s2+s10], $0x80, s1, s10, $0xb8;
	[tilespmem:$0x1D400] =	vst v63  }
0x4e: {  	s1 =	sadd.s32 $0x300, s31  }
0x4f: {  	[tilespmem:s20], [sflag:$0x2] =	stream.indirect.gather [hbm4b:s2+s10], $0x80, s1, s10, $0xb8;
	[tilespmem:$0x1D400] =	vst v63  }
0x50: {  	s1 =	sadd.s32 $0x380, s31  }
0x51: {  	[tilespmem:s21], [sflag:$0x2] =	stream.indirect.gather [hbm4b:s2+s10], $0x80, s1, s10, $0xb8;
	[tilespmem:$0x1D400] =	vst v63  }
0x52: {  	_ =	swait.ge [sflag:s22], $0x3800  }
0x53: {  	[sflag:s22] =	ssyncset.done $0x0  }
0x54: {  	[sflag:s22] =	ssyncadd.s32 $0xFFFFC800  }
0x55: {  	_ =	swait.ge [sflag:s22], $0x3800  }
0x56: {  	[sflag:s22] =	ssyncset.done $0x0  }
0x57: {  	[sflag:s22] =	ssyncadd.s32 $0xFFFFC800  }
0x58: {  	_ =	swait.ge [sflag:s22], $0x3800  }
0x59: {  	[sflag:s22] =	ssyncset.done $0x0  }
0x5a: {  	[sflag:s22] =	ssyncadd.s32 $0xFFFFC800  }
0x5b: {  	_ =	swait.ge [sflag:s22], $0x3800  }
0x5c: {  	[sflag:s22] =	ssyncset.done $0x0  }
0x5d: {  	[sflag:s22] =	ssyncadd.s32 $0xFFFFC800  }
0x5e: {  	[hbm4b:s30+s3] =	stream.linear.scatter [tilespmem:s11], [sflag:$0x3], $0xE000, $0x38;
	[tilespmem:$0x1D400] =	vst v63  }
0x5f: {  	_ =	swait.ge [sflag:s9], $0xE000  }
0x60: {  	[sflag:s9] =	ssyncset.done $0x0  }
0x61: {  	s1 =	sadd.s32 $0x400, s31;
	[sflag:s9] =	ssyncadd.s32 $0xFFFF2000  }
0x62: {  	[tilespmem:s11], [sflag:$0x1] =	stream.indirect.gather [hbm4b:s2+s10], $0x80, s1, s10, $0xb8;
	[tilespmem:$0x1D400] =	vst v63  }
0x63: {  	s1 =	sadd.s32 $0x480, s31  }
0x64: {  	[tilespmem:s13], [sflag:$0x1] =	stream.indirect.gather [hbm4b:s2+s10], $0x80, s1, s10, $0xb8;
	[tilespmem:$0x1D400] =	vst v63  }
0x65: {  	s1 =	sadd.s32 $0x500, s31  }
0x66: {  	[tilespmem:s15], [sflag:$0x1] =	stream.indirect.gather [hbm4b:s2+s10], $0x80, s1, s10, $0xb8;
	[tilespmem:$0x1D400] =	vst v63  }
0x67: {  	s1 =	sadd.s32 $0x580, s31  }
0x68: {  	[tilespmem:s17], [sflag:$0x1] =	stream.indirect.gather [hbm4b:s2+s10], $0x80, s1, s10, $0xb8;
	[tilespmem:$0x1D400] =	vst v63  }
0x69: {  	_ =	swait.ge [sflag:s23], $0x3800  }
0x6a: {  	[sflag:s23] =	ssyncset.done $0x0  }
0x6b: {  	[sflag:s23] =	ssyncadd.s32 $0xFFFFC800  }
0x6c: {  	_ =	swait.ge [sflag:s23], $0x3800  }
0x6d: {  	[sflag:s23] =	ssyncset.done $0x0  }
0x6e: {  	[sflag:s23] =	ssyncadd.s32 $0xFFFFC800  }
0x6f: {  	_ =	swait.ge [sflag:s23], $0x3800  }
0x70: {  	[sflag:s23] =	ssyncset.done $0x0  }
0x71: {  	[sflag:s23] =	ssyncadd.s32 $0xFFFFC800  }
0x72: {  	_ =	swait.ge [sflag:s23], $0x3800  }
.Ltmp0:
0x73: {  	[sflag:s23] =	ssyncset.done $0x0;
	(pc) =	sbr.rel @p0 .LBB2_2-.Ltmp0, $4  }
0x74: {  	s1 =	sadd.s32 $0x1C00, s30;
	[sflag:s23] =	ssyncadd.s32 $0xFFFFC800  }
0x75: {  	[hbm4b:s1+s3] =	stream.linear.scatter [tilespmem:s18], [sflag:$0x3], $0xE000, $0x38;
	[tilespmem:$0x1D400] =	vst v63  }
0x76: {  	s31 =	sshra.s32 s0, $0x2;
	_ =	swait.ge [sflag:s9], $0xE000  }
0x77: {  	s30 =	sadd.s32 $0x3800, s30;
	s1 =	smov.u32 s12;
	[sflag:s9] =	ssyncset.done $0x0  }
0x78: {  	s0 =	sadd.s32 $0x200, s31;
	[sflag:s9] =	ssyncadd.s32 $0xFFFF2000  }
0x79: {  	[tilespmem:s18], [sflag:$0x2] =	stream.indirect.gather [hbm4b:s2+s10], $0x80, s0, s10, $0xb8;
	[tilespmem:$0x1D400] =	vst v63  }
0x7a: {  	s14 =	sadd.s32 $0x280, s31  }
0x7b: {  	[tilespmem:s19], [sflag:$0x2] =	stream.indirect.gather [hbm4b:s2+s10], $0x80, s14, s10, $0xb8;
	[tilespmem:$0x1D400] =	vst v63  }
0x7c: {  	s1 =	sadd.s32 $0x300, s31  }
0x7d: {  	[tilespmem:s20], [sflag:$0x2] =	stream.indirect.gather [hbm4b:s2+s10], $0x80, s1, s10, $0xb8;
	[tilespmem:$0x1D400] =	vst v63  }
0x7e: {  	s12 =	sadd.s32 $0x380, s31  }
0x7f: {  	[tilespmem:s21], [sflag:$0x2] =	stream.indirect.gather [hbm4b:s2+s10], $0x80, s12, s10, $0xb8;
	[tilespmem:$0x1D400] =	vst v63  }
0x80: {  	_ =	swait.ge [sflag:s22], $0x3800  }
0x81: {  	[sflag:s22] =	ssyncset.done $0x0  }
0x82: {  	[sflag:s22] =	ssyncadd.s32 $0xFFFFC800  }
0x83: {  	_ =	swait.ge [sflag:s22], $0x3800  }
0x84: {  	[sflag:s22] =	ssyncset.done $0x0  }
0x85: {  	[sflag:s22] =	ssyncadd.s32 $0xFFFFC800  }
0x86: {  	_ =	swait.ge [sflag:s22], $0x3800  }
0x87: {  	[sflag:s22] =	ssyncset.done $0x0  }
0x88: {  	[sflag:s22] =	ssyncadd.s32 $0xFFFFC800  }
0x89: {  	_ =	swait.ge [sflag:s22], $0x3800  }
0x8a: {  	[sflag:s22] =	ssyncset.done $0x0  }
0x8b: {  	[sflag:s22] =	ssyncadd.s32 $0xFFFFC800  }
0x8c: {  	[hbm4b:s30+s3] =	stream.linear.scatter [tilespmem:s11], [sflag:$0x3], $0xE000, $0x38;
	[tilespmem:$0x1D400] =	vst v63  }
0x8d: {  	_ =	swait.ge [sflag:s9], $0xE000  }
0x8e: {  	[sflag:s9] =	ssyncset.done $0x0  }
0x8f: {  	s14 =	sadd.s32 $0x400, s31;
	[sflag:s9] =	ssyncadd.s32 $0xFFFF2000  }
0x90: {  	[tilespmem:s11], [sflag:$0x1] =	stream.indirect.gather [hbm4b:s2+s10], $0x80, s14, s10, $0xb8;
	[tilespmem:$0x1D400] =	vst v63  }
0x91: {  	s1 =	sadd.s32 $0x480, s31  }
0x92: {  	[tilespmem:s13], [sflag:$0x1] =	stream.indirect.gather [hbm4b:s2+s10], $0x80, s1, s10, $0xb8;
	[tilespmem:$0x1D400] =	vst v63  }
0x93: {  	s12 =	sadd.s32 $0x500, s31  }
0x94: {  	[tilespmem:s15], [sflag:$0x1] =	stream.indirect.gather [hbm4b:s2+s10], $0x80, s12, s10, $0xb8;
	[tilespmem:$0x1D400] =	vst v63  }
0x95: {  	s14 =	sadd.s32 $0x580, s31  }
0x96: {  	[tilespmem:s17], [sflag:$0x1] =	stream.indirect.gather [hbm4b:s2+s10], $0x80, s14, s10, $0xb8;
	[tilespmem:$0x1D400] =	vst v63  }
0x97: {  	_ =	swait.ge [sflag:s23], $0x3800  }
0x98: {  	[sflag:s23] =	ssyncset.done $0x0  }
0x99: {  	[sflag:s23] =	ssyncadd.s32 $0xFFFFC800  }
0x9a: {  	_ =	swait.ge [sflag:s23], $0x3800  }
0x9b: {  	[sflag:s23] =	ssyncset.done $0x0  }
0x9c: {  	[sflag:s23] =	ssyncadd.s32 $0xFFFFC800  }
0x9d: {  	_ =	swait.ge [sflag:s23], $0x3800  }
0x9e: {  	[sflag:s23] =	ssyncset.done $0x0  }
0x9f: {  	[sflag:s23] =	ssyncadd.s32 $0xFFFFC800  }
0xa0: {  	_ =	swait.ge [sflag:s23], $0x3800  }
0xa1: {  	[sflag:s23] =	ssyncset.done $0x0  }
0xa2: {  	s31 =	sadd.s32 $0x1C00, s30;
	[sflag:s23] =	ssyncadd.s32 $0xFFFFC800  }
0xa3: {  	[hbm4b:s31+s3] =	stream.linear.scatter [tilespmem:s18], [sflag:$0x3], $0xE000, $0x38;
	[tilespmem:$0x1D400] =	vst v63  }
0xa4: {  	_ =	swait.ge [sflag:s9], $0xE000  }
0xa5: {  	[sflag:s9] =	ssyncset.done $0x0  }
0xa6: {  	[sflag:s9] =	ssyncadd.s32 $0xFFFF2000  }
0xa7: {  	[tilespmem:s18], [sflag:$0x2] =	stream.indirect.gather [hbm4b:s2+s10], $0x80, s24, s10, $0xb8;
	[tilespmem:$0x1D400] =	vst v63  }
0xa8: {  	_ = 	snop  }
0xa9: {  	[tilespmem:s19], [sflag:$0x2] =	stream.indirect.gather [hbm4b:s2+s10], $0x80, s25, s10, $0xb8;
	[tilespmem:$0x1D400] =	vst v63  }
0xaa: {  	_ = 	snop  }
0xab: {  	[tilespmem:s20], [sflag:$0x2] =	stream.indirect.gather [hbm4b:s2+s10], $0x80, s26, s10, $0xb8;
	[tilespmem:$0x1D400] =	vst v63  }
0xac: {  	_ = 	snop  }
0xad: {  	[tilespmem:s21], [sflag:$0x2] =	stream.indirect.gather [hbm4b:s2+s10], $0x80, s28, s10, $0xb8;
	[tilespmem:$0x1D400] =	vst v63  }
0xae: {  	_ =	swait.ge [sflag:s22], $0x3800  }
0xaf: {  	[sflag:s22] =	ssyncset.done $0x0  }
0xb0: {  	[sflag:s22] =	ssyncadd.s32 $0xFFFFC800  }
0xb1: {  	_ =	swait.ge [sflag:s22], $0x3800  }
0xb2: {  	[sflag:s22] =	ssyncset.done $0x0  }
0xb3: {  	[sflag:s22] =	ssyncadd.s32 $0xFFFFC800  }
0xb4: {  	_ =	swait.ge [sflag:s22], $0x3800  }
0xb5: {  	[sflag:s22] =	ssyncset.done $0x0  }
0xb6: {  	[sflag:s22] =	ssyncadd.s32 $0xFFFFC800  }
0xb7: {  	_ =	swait.ge [sflag:s22], $0x3800  }
0xb8: {  	[sflag:s22] =	ssyncset.done $0x0  }
0xb9: {  	[sflag:s22] =	ssyncadd.s32 $0xFFFFC800  }
0xba: {  	[hbm4b:s6+s3] =	stream.linear.scatter [tilespmem:s11], [sflag:$0x3], $0xE000, $0x38;
	[tilespmem:$0x1D400] =	vst v63  }
0xbb: {  	_ =	swait.ge [sflag:s9], $0xE000  }
0xbc: {  	[sflag:s9] =	ssyncset.done $0x0  }
0xbd: {  	[sflag:s9] =	ssyncadd.s32 $0xFFFF2000  }
0xbe: {  	_ =	swait.ge [sflag:s23], $0x3800  }
0xbf: {  	[sflag:s23] =	ssyncset.done $0x0  }
0xc0: {  	[sflag:s23] =	ssyncadd.s32 $0xFFFFC800  }
0xc1: {  	_ =	swait.ge [sflag:s23], $0x3800  }
0xc2: {  	[sflag:s23] =	ssyncset.done $0x0  }
0xc3: {  	[sflag:s23] =	ssyncadd.s32 $0xFFFFC800  }
0xc4: {  	_ =	swait.ge [sflag:s23], $0x3800  }
0xc5: {  	[sflag:s23] =	ssyncset.done $0x0  }
0xc6: {  	[sflag:s23] =	ssyncadd.s32 $0xFFFFC800  }
0xc7: {  	s29 =	sadd.s32 $0x1, s29;
	_ =	swait.ge [sflag:s23], $0x3800  }
0xc8: {  	p0 =	sne.s32 s29, s5;
	[sflag:s23] =	ssyncset.done $0x0  }
.Ltmp1:
0xc9: {  	[sflag:s23] =	ssyncadd.s32 $0xFFFFC800;
	(pc) =	sbr.rel @p0 .LBB2_1-.Ltmp1, $4  }
0xca: {  	[hbm4b:s7+s3] =	stream.linear.scatter [tilespmem:s18], [sflag:$0x3], $0xE000, $0x38;
	[tilespmem:$0x1D400] =	vst v63  }
0xcb: {  	_ =	swait.ge [sflag:s9], $0xE000  }
0xcc: {  	[sflag:s9] =	ssyncset.done $0x0  }
0xcd: {  	[sflag:s9] =	ssyncadd.s32 $0xFFFF2000  }
0xce: {  	_ =	sfence.sel $0x180000  }
0xcf: {  	[bflag:$0x0] =	sbarrier.arrive $0xFFFF  }
0xd0: {  	_ =	strace $0x90000047  }
0xd1: {  	s0 =	stileid.u32;
	[bflag:$0x2] =	sbarrier.arrive $0xFFFF  }
0xd2: {  	p0 =	sne.s32 s0, $0x0;
	s0 =	rddreg [dreg:$0x2]  }
0xd3: {  	s0 =	sadd.s32 @!p0 $0x100000, s0  }
0xd4: {  	[sflag:s0] =	ssyncadd.tile.s32 @!p0 $0x1;
	_ =	shalt  }
.Lfunc_end2:
_tile_overlayer_lowered:
.L_overlay_start_2:
0xd5: {  	(tag) =	ssettag $0x2  }
0xd6: {  	s0 =	rddreg [dreg:$0x0];
	s2 =	stileid.u32  }
0xd7: {  	s1 =	rddreg [dreg:$0x1];
	p0 =	sne.s32 s2, $0x0  }
0xd8: {  	s3 =	rddreg [dreg:$0x2];
	[bflag:$0x3] =	sbarrier.arrive $0xFFFF;
	s2 =	simm.s32 @!p0 $0x1C03  }
0xd9: {  	[timem:s3], [sflag:s2] =	dma.local @!p0 [hbm:s0], s1  }
0xda: {  	s0 =	simm.s32 @!p0 $0x3  }
0xdb: {  	_ =	swait.ge @!p0 [sflag:s0], s1  }
0xdc: {  	s1 =	ssub.s32 @!p0 $0x0, s1;
	[sflag:s0] =	ssyncset.done @!p0 $0x0  }
0xdd: {  	[sflag:s0] =	ssyncadd.s32 @!p0 s1  }
0xde: {  	[bflag:$0x3] =	sbarrier.arrive $0xFFFF  }
0xdf: {  	_ =	shalt  }

</sc_bundles>
